<compile_context>
chip_gen: v7x
topology: tpu7x:2x2x1
jax: 0.10.2.dev20260603
libtpu: 0.0.44.dev20260713+nightly
codegen_flags: <defaults>
</compile_context>

<pallas_src>
import functools

import jax
import jax.numpy as jnp
from jax import lax
from jax.experimental import pallas as pl
from jax.experimental.pallas import tpu as pltpu
from jax.experimental.pallas import tpu_sc as plsc

B_LEN = 4096
T_LEN = 50
D = 16
N = B_LEN * T_LEN
EPB = 8
W128 = EPB * D
NBLK = 1000000 // EPB
NC, NS = 2, 16
NW = NC * NS
PER_W = N // NW
CHUNK = 400
NCHUNK = PER_W // CHUNK

_mesh = plsc.VectorSubcoreMesh(core_axis_name="c", subcore_axis_name="s")


def _gather_body(tab_hbm, idx_hbm, out_hbm, idx_v, rows0, rows1,
                 gsem, osem0, osem1):
    wid = lax.axis_index("s") * NC + lax.axis_index("c")
    base = wid * PER_W
    pltpu.sync_copy(idx_hbm.at[pl.ds(base, PER_W)], idx_v)

    rows = [rows0, rows1]
    osem = [osem0, osem1]
    w = [None, None]
    for k in range(NCHUNK):
        b = k % 2
        if w[b] is not None:
            w[b].wait()
        pltpu.async_copy(
            tab_hbm.at[idx_v.at[pl.ds(k * CHUNK, CHUNK)]], rows[b], gsem
        ).wait()
        w[b] = pltpu.async_copy(
            rows[b], out_hbm.at[pl.ds(base + k * CHUNK, CHUNK)], osem[b]
        )
    w[0].wait()
    w[1].wait()


_sc_gather = functools.partial(
    pl.kernel,
    mesh=_mesh,
    out_type=jax.ShapeDtypeStruct((N, W128), jnp.float32),
    scratch_types=[
        pltpu.VMEM((PER_W,), jnp.int32),
        pltpu.VMEM((CHUNK, W128), jnp.float32),
        pltpu.VMEM((CHUNK, W128), jnp.float32),
        pltpu.SemaphoreType.DMA,
        pltpu.SemaphoreType.DMA,
        pltpu.SemaphoreType.DMA,
    ],
    compiler_params=pltpu.CompilerParams(use_tc_tiling_on_sc=True),
)(_gather_body)


BLK = 2048


def _extract_body(g_ref, sel_ref, sig_ref, loc_ref, scale_ref):
    g3 = g_ref[...].reshape(BLK, EPB, D)
    s = sel_ref[...]
    m = (lax.broadcasted_iota(jnp.int32, (BLK, EPB), 1) == s[:, None])
    loc = jnp.sum(g3 * m.astype(jnp.float32)[:, :, None], axis=1)
    loc_ref[...] = loc.T
    scale_ref[...] = jnp.broadcast_to(sig_ref[0, :][:, None], (D, BLK))


def _tc_extract(blocks, sel, sigma):
    return pl.pallas_call(
        _extract_body,
        out_shape=(
            jax.ShapeDtypeStruct((D, N), jnp.float32),
            jax.ShapeDtypeStruct((D, N), jnp.float32),
        ),
        grid=(N // BLK,),
        in_specs=[
            pl.BlockSpec((BLK, W128), lambda i: (i, 0)),
            pl.BlockSpec((BLK,), lambda i: (i,)),
            pl.BlockSpec((1, D), lambda i: (0, 0)),
        ],
        out_specs=(
            pl.BlockSpec((D, BLK), lambda i: (0, i)),
            pl.BlockSpec((D, BLK), lambda i: (0, i)),
        ),
    )(blocks, sel, sigma.reshape(1, D))


def kernel(x, u, t, means, sigma):
    xi = x.astype(jnp.int32).reshape(N)
    bidx = xi >> 3
    sel = xi & 7
    tab = means.reshape(NBLK, W128)
    blocks = _sc_gather(tab, bidx)
    loc_t, scale_t = _tc_extract(blocks, sel, sigma)
    loc = loc_t.T.reshape(B_LEN, T_LEN, D)
    scale = scale_t.T.reshape(B_LEN, T_LEN, D)
    return (loc, scale)

# --- scband reference (transcript-rebuilt; emitter-appended) ---
"""Pipeline reference for scband-hmmemission-89172111000117 (READ-ONLY COPY).

The authoritative reference and input builder live on the scoring server;
editing this copy changes nothing except your own understanding.
"""

import jax, jax.numpy as jnp
import numpy as np

NUM_STATES = 1000000
EMISSION_DIM = 16


def setup_inputs(seed: int = 0) -> dict:
    key = jax.random.key(seed)
    k1, k2, k3, k4, k5 = jax.random.split(key, 5)
    x = jax.random.randint(k1, (4096, 50), 0, NUM_STATES, dtype=jnp.int64)
    u = jax.random.normal(k2, (4096, 50), dtype=jnp.float32)
    t = jax.random.randint(k3, (4096, 50), 0, 50, dtype=jnp.int64)
    # Learned parameters of the _HMMEmission module
    means = jax.random.normal(k4, (NUM_STATES, EMISSION_DIM), dtype=jnp.float32)
    sigma = jax.nn.softplus(jax.random.normal(k5, (EMISSION_DIM,), dtype=jnp.float32)) + 0.1
    return {"x": x, "u": u, "t": t, "means": means, "sigma": sigma}


def reference(x, u, t, means, sigma):
    # _HMMEmission.__call__: dist.Normal(self.means[x], self.sigma)
    # u and t are accepted by the signature but unused in the emission.
    # We return the Normal distribution's parameters (loc, scale), which is
    # the faithful computational content of constructing the distribution.
    loc = means[x]                       # gather: [B, L, EMISSION_DIM]
    scale = jnp.broadcast_to(sigma, loc.shape)
    return (loc, scale)

if __name__ == "__main__":
    import jax
    _d = setup_inputs()
    print(jax.jit(kernel)(*tuple(_d.values())))

</pallas_src>

<mosaic_0001>
#map = affine_map<(d0, d1) -> (0, 0)>
#map1 = affine_map<(d0, d1) -> (0)>
module attributes {stable_mosaic.version = 14 : i64} {
  func.func @_gather_body(%arg0: i32, %arg1: i32, %arg2: memref<125000x128xf32, #tpu.memory_space<hbm>>, %arg3: memref<204800xi32, #tpu.memory_space<hbm>>, %arg4: memref<204800x128xf32, #tpu.memory_space<hbm>>, %arg5: memref<6400xi32, #tpu.memory_space<vmem>>, %arg6: memref<400x128xf32, #tpu.memory_space<vmem>>, %arg7: memref<400x128xf32, #tpu.memory_space<vmem>>, %arg8: memref<!tpu.dma_semaphore, #tpu.memory_space<semaphore_mem>>, %arg9: memref<!tpu.dma_semaphore, #tpu.memory_space<semaphore_mem>>, %arg10: memref<!tpu.dma_semaphore, #tpu.memory_space<semaphore_mem>>) attributes {dimension_semantics = [#tpu.dimension_semantics<core_parallel>, #tpu.dimension_semantics<subcore_parallel>], iteration_bounds = array<i64: 2, 16>, scalar_prefetch = 0 : i64, scratch_operands = 6 : i64, tpu.core_type = #tpu.core_type<sc_vector_subcore>, window_params = [{transform_indices = #map}, {transform_indices = #map1}, {transform_indices = #map}]} {
    %mul3A = arith.constant 2 : i32
    %mul3A_0 = arith.muli %arg1, %mul3A : i32
    %add3A = arith.addi %mul3A_0, %arg0 : i32
    %mul3A_1 = arith.constant 6400 : i32
    %mul3A_2 = arith.muli %add3A, %mul3A_1 : i32
    "tpu.region"() ({
      %run_scoped3A = tpu.sem_alloc : memref<!tpu.dma_semaphore, #tpu.memory_space<semaphore_mem>>
      %dma_start3A_321 = tpu.memref_slice %arg3[%mul3A_2] : memref<204800xi32, #tpu.memory_space<hbm>> -> memref<6400xi32, #tpu.memory_space<hbm>>
      %dma_start3A_322 = tpu.memref_slice %arg3[%mul3A_2] : memref<204800xi32, #tpu.memory_space<hbm>> -> memref<6400xi32, #tpu.memory_space<hbm>>
      tpu.enqueue_dma source(%dma_start3A_322 : memref<6400xi32, #tpu.memory_space<hbm>>) target(%arg5 : memref<6400xi32, #tpu.memory_space<vmem>>) target_semaphore(%run_scoped3A : memref<!tpu.dma_semaphore, #tpu.memory_space<semaphore_mem>>)
      %dma_wait3A_323 = tpu.memref_slice %arg3[%mul3A_2] : memref<204800xi32, #tpu.memory_space<hbm>> -> memref<6400xi32, #tpu.memory_space<hbm>>
      %dma_wait3A_324 = tpu.memref_slice %arg3[%mul3A_2] : memref<204800xi32, #tpu.memory_space<hbm>> -> memref<6400xi32, #tpu.memory_space<hbm>>
      tpu.wait_dma2 semaphore(%run_scoped3A : memref<!tpu.dma_semaphore, #tpu.memory_space<semaphore_mem>>) src(%dma_wait3A_324 : memref<6400xi32, #tpu.memory_space<hbm>>) dst(%arg5 : memref<6400xi32, #tpu.memory_space<vmem>>)
      tpu.yield
    }) : () -> ()
    %dma_start3A = arith.constant 0 : i32
    %dma_start3A_3 = tpu.memref_slice %arg5[%dma_start3A] : memref<6400xi32, #tpu.memory_space<vmem>> -> memref<400xi32, #tpu.memory_space<vmem>>
    %dma_start3A_4 = arith.constant 0 : i32
    %dma_start3A_5 = arith.constant 0 : i32
    %dma_start3A_6 = tpu.memref_slice %arg2[%dma_start3A_4, %dma_start3A_5] : memref<125000x128xf32, #tpu.memory_space<hbm>> -> memref<125000x128xf32, #tpu.memory_space<hbm>>
    tpu.enqueue_indirect_dma source(%dma_start3A_6 : memref<125000x128xf32, #tpu.memory_space<hbm>>) target(%arg6 : memref<400x128xf32, #tpu.memory_space<vmem>>) offsets(%dma_start3A_3 : memref<400xi32, #tpu.memory_space<vmem>>) semaphore(%arg8 : memref<!tpu.dma_semaphore, #tpu.memory_space<semaphore_mem>>)
    %dma_wait3A = arith.constant 0 : i32
    %dma_wait3A_7 = tpu.memref_slice %arg5[%dma_wait3A] : memref<6400xi32, #tpu.memory_space<vmem>> -> memref<400xi32, #tpu.memory_space<vmem>>
    %dma_wait3A_8 = arith.constant 0 : i32
    %dma_wait3A_9 = arith.constant 0 : i32
    %dma_wait3A_10 = tpu.memref_slice %arg2[%dma_wait3A_8, %dma_wait3A_9] : memref<125000x128xf32, #tpu.memory_space<hbm>> -> memref<125000x128xf32, #tpu.memory_space<hbm>>
    tpu.wait_indirect_dma semaphore(%arg8 : memref<!tpu.dma_semaphore, #tpu.memory_space<semaphore_mem>>) src(%dma_wait3A_10 : memref<125000x128xf32, #tpu.memory_space<hbm>>) dst(%arg6 : memref<400x128xf32, #tpu.memory_space<vmem>>)
    %add3A_11 = arith.constant 0 : i32
    %add3A_12 = arith.addi %mul3A_2, %add3A_11 : i32
    %dma_start3A_13 = arith.constant 0 : i32
    %dma_start3A_14 = tpu.memref_slice %arg4[%add3A_12, %dma_start3A_13] : memref<204800x128xf32, #tpu.memory_space<hbm>> -> memref<400x128xf32, #tpu.memory_space<hbm>>
    %dma_start3A_15 = arith.constant 0 : i32
    %dma_start3A_16 = tpu.memref_slice %arg4[%add3A_12, %dma_start3A_15] : memref<204800x128xf32, #tpu.memory_space<hbm>> -> memref<400x128xf32, #tpu.memory_space<hbm>>
    tpu.enqueue_dma source(%arg6 : memref<400x128xf32, #tpu.memory_space<vmem>>) target(%dma_start3A_16 : memref<400x128xf32, #tpu.memory_space<hbm>>) target_semaphore(%arg9 : memref<!tpu.dma_semaphore, #tpu.memory_space<semaphore_mem>>)
    %dma_start3A_17 = arith.constant 400 : i32
    %dma_start3A_18 = tpu.memref_slice %arg5[%dma_start3A_17] : memref<6400xi32, #tpu.memory_space<vmem>> -> memref<400xi32, #tpu.memory_space<vmem>>
    %dma_start3A_19 = arith.constant 0 : i32
    %dma_start3A_20 = arith.constant 0 : i32
    %dma_start3A_21 = tpu.memref_slice %arg2[%dma_start3A_19, %dma_start3A_20] : memref<125000x128xf32, #tpu.memory_space<hbm>> -> memref<125000x128xf32, #tpu.memory_space<hbm>>
    tpu.enqueue_indirect_dma source(%dma_start3A_21 : memref<125000x128xf32, #tpu.memory_space<hbm>>) target(%arg7 : memref<400x128xf32, #tpu.memory_space<vmem>>) offsets(%dma_start3A_18 : memref<400xi32, #tpu.memory_space<vmem>>) semaphore(%arg8 : memref<!tpu.dma_semaphore, #tpu.memory_space<semaphore_mem>>)
    %dma_wait3A_22 = arith.constant 400 : i32
    %dma_wait3A_23 = tpu.memref_slice %arg5[%dma_wait3A_22] : memref<6400xi32, #tpu.memory_space<vmem>> -> memref<400xi32, #tpu.memory_space<vmem>>
    %dma_wait3A_24 = arith.constant 0 : i32
    %dma_wait3A_25 = arith.constant 0 : i32
    %dma_wait3A_26 = tpu.memref_slice %arg2[%dma_wait3A_24, %dma_wait3A_25] : memref<125000x128xf32, #tpu.memory_space<hbm>> -> memref<125000x128xf32, #tpu.memory_space<hbm>>
    tpu.wait_indirect_dma semaphore(%arg8 : memref<!tpu.dma_semaphore, #tpu.memory_space<semaphore_mem>>) src(%dma_wait3A_26 : memref<125000x128xf32, #tpu.memory_space<hbm>>) dst(%arg7 : memref<400x128xf32, #tpu.memory_space<vmem>>)
    %add3A_27 = arith.constant 400 : i32
    %add3A_28 = arith.addi %mul3A_2, %add3A_27 : i32
    %dma_start3A_29 = arith.constant 0 : i32
    %dma_start3A_30 = tpu.memref_slice %arg4[%add3A_28, %dma_start3A_29] : memref<204800x128xf32, #tpu.memory_space<hbm>> -> memref<400x128xf32, #tpu.memory_space<hbm>>
    %dma_start3A_31 = arith.constant 0 : i32
    %dma_start3A_32 = tpu.memref_slice %arg4[%add3A_28, %dma_start3A_31] : memref<204800x128xf32, #tpu.memory_space<hbm>> -> memref<400x128xf32, #tpu.memory_space<hbm>>
    tpu.enqueue_dma source(%arg7 : memref<400x128xf32, #tpu.memory_space<vmem>>) target(%dma_start3A_32 : memref<400x128xf32, #tpu.memory_space<hbm>>) target_semaphore(%arg10 : memref<!tpu.dma_semaphore, #tpu.memory_space<semaphore_mem>>)
    %dma_wait3A_33 = arith.constant 0 : i32
    %dma_wait3A_34 = tpu.memref_slice %arg4[%add3A_12, %dma_wait3A_33] : memref<204800x128xf32, #tpu.memory_space<hbm>> -> memref<400x128xf32, #tpu.memory_space<hbm>>
    %dma_wait3A_35 = arith.constant 0 : i32
    %dma_wait3A_36 = tpu.memref_slice %arg4[%add3A_12, %dma_wait3A_35] : memref<204800x128xf32, #tpu.memory_space<hbm>> -> memref<400x128xf32, #tpu.memory_space<hbm>>
    tpu.wait_dma2 semaphore(%arg9 : memref<!tpu.dma_semaphore, #tpu.memory_space<semaphore_mem>>) src(%arg6 : memref<400x128xf32, #tpu.memory_space<vmem>>) dst(%dma_wait3A_36 : memref<400x128xf32, #tpu.memory_space<hbm>>)
    %dma_start3A_37 = arith.constant 800 : i32
    %dma_start3A_38 = tpu.memref_slice %arg5[%dma_start3A_37] : memref<6400xi32, #tpu.memory_space<vmem>> -> memref<400xi32, #tpu.memory_space<vmem>>
    %dma_start3A_39 = arith.constant 0 : i32
    %dma_start3A_40 = arith.constant 0 : i32
    %dma_start3A_41 = tpu.memref_slice %arg2[%dma_start3A_39, %dma_start3A_40] : memref<125000x128xf32, #tpu.memory_space<hbm>> -> memref<125000x128xf32, #tpu.memory_space<hbm>>
    tpu.enqueue_indirect_dma source(%dma_start3A_41 : memref<125000x128xf32, #tpu.memory_space<hbm>>) target(%arg6 : memref<400x128xf32, #tpu.memory_space<vmem>>) offsets(%dma_start3A_38 : memref<400xi32, #tpu.memory_space<vmem>>) semaphore(%arg8 : memref<!tpu.dma_semaphore, #tpu.memory_space<semaphore_mem>>)
    %dma_wait3A_42 = arith.constant 800 : i32
    %dma_wait3A_43 = tpu.memref_slice %arg5[%dma_wait3A_42] : memref<6400xi32, #tpu.memory_space<vmem>> -> memref<400xi32, #tpu.memory_space<vmem>>
    %dma_wait3A_44 = arith.constant 0 : i32
    %dma_wait3A_45 = arith.constant 0 : i32
    %dma_wait3A_46 = tpu.memref_slice %arg2[%dma_wait3A_44, %dma_wait3A_45] : memref<125000x128xf32, #tpu.memory_space<hbm>> -> memref<125000x128xf32, #tpu.memory_space<hbm>>
    tpu.wait_indirect_dma semaphore(%arg8 : memref<!tpu.dma_semaphore, #tpu.memory_space<semaphore_mem>>) src(%dma_wait3A_46 : memref<125000x128xf32, #tpu.memory_space<hbm>>) dst(%arg6 : memref<400x128xf32, #tpu.memory_space<vmem>>)
    %add3A_47 = arith.constant 800 : i32
    %add3A_48 = arith.addi %mul3A_2, %add3A_47 : i32
    %dma_start3A_49 = arith.constant 0 : i32
    %dma_start3A_50 = tpu.memref_slice %arg4[%add3A_48, %dma_start3A_49] : memref<204800x128xf32, #tpu.memory_space<hbm>> -> memref<400x128xf32, #tpu.memory_space<hbm>>
    %dma_start3A_51 = arith.constant 0 : i32
    %dma_start3A_52 = tpu.memref_slice %arg4[%add3A_48, %dma_start3A_51] : memref<204800x128xf32, #tpu.memory_space<hbm>> -> memref<400x128xf32, #tpu.memory_space<hbm>>
    tpu.enqueue_dma source(%arg6 : memref<400x128xf32, #tpu.memory_space<vmem>>) target(%dma_start3A_52 : memref<400x128xf32, #tpu.memory_space<hbm>>) target_semaphore(%arg9 : memref<!tpu.dma_semaphore, #tpu.memory_space<semaphore_mem>>)
    %dma_wait3A_53 = arith.constant 0 : i32
    %dma_wait3A_54 = tpu.memref_slice %arg4[%add3A_28, %dma_wait3A_53] : memref<204800x128xf32, #tpu.memory_space<hbm>> -> memref<400x128xf32, #tpu.memory_space<hbm>>
    %dma_wait3A_55 = arith.constant 0 : i32
    %dma_wait3A_56 = tpu.memref_slice %arg4[%add3A_28, %dma_wait3A_55] : memref<204800x128xf32, #tpu.memory_space<hbm>> -> memref<400x128xf32, #tpu.memory_space<hbm>>
    tpu.wait_dma2 semaphore(%arg10 : memref<!tpu.dma_semaphore, #tpu.memory_space<semaphore_mem>>) src(%arg7 : memref<400x128xf32, #tpu.memory_space<vmem>>) dst(%dma_wait3A_56 : memref<400x128xf32, #tpu.memory_space<hbm>>)
    %dma_start3A_57 = arith.constant 1200 : i32
    %dma_start3A_58 = tpu.memref_slice %arg5[%dma_start3A_57] : memref<6400xi32, #tpu.memory_space<vmem>> -> memref<400xi32, #tpu.memory_space<vmem>>
    %dma_start3A_59 = arith.constant 0 : i32
    %dma_start3A_60 = arith.constant 0 : i32
    %dma_start3A_61 = tpu.memref_slice %arg2[%dma_start3A_59, %dma_start3A_60] : memref<125000x128xf32, #tpu.memory_space<hbm>> -> memref<125000x128xf32, #tpu.memory_space<hbm>>
    tpu.enqueue_indirect_dma source(%dma_start3A_61 : memref<125000x128xf32, #tpu.memory_space<hbm>>) target(%arg7 : memref<400x128xf32, #tpu.memory_space<vmem>>) offsets(%dma_start3A_58 : memref<400xi32, #tpu.memory_space<vmem>>) semaphore(%arg8 : memref<!tpu.dma_semaphore, #tpu.memory_space<semaphore_mem>>)
    %dma_wait3A_62 = arith.constant 1200 : i32
    %dma_wait3A_63 = tpu.memref_slice %arg5[%dma_wait3A_62] : memref<6400xi32, #tpu.memory_space<vmem>> -> memref<400xi32, #tpu.memory_space<vmem>>
    %dma_wait3A_64 = arith.constant 0 : i32
    %dma_wait3A_65 = arith.constant 0 : i32
    %dma_wait3A_66 = tpu.memref_slice %arg2[%dma_wait3A_64, %dma_wait3A_65] : memref<125000x128xf32, #tpu.memory_space<hbm>> -> memref<125000x128xf32, #tpu.memory_space<hbm>>
    tpu.wait_indirect_dma semaphore(%arg8 : memref<!tpu.dma_semaphore, #tpu.memory_space<semaphore_mem>>) src(%dma_wait3A_66 : memref<125000x128xf32, #tpu.memory_space<hbm>>) dst(%arg7 : memref<400x128xf32, #tpu.memory_space<vmem>>)
    %add3A_67 = arith.constant 1200 : i32
    %add3A_68 = arith.addi %mul3A_2, %add3A_67 : i32
    %dma_start3A_69 = arith.constant 0 : i32
    %dma_start3A_70 = tpu.memref_slice %arg4[%add3A_68, %dma_start3A_69] : memref<204800x128xf32, #tpu.memory_space<hbm>> -> memref<400x128xf32, #tpu.memory_space<hbm>>
    %dma_start3A_71 = arith.constant 0 : i32
    %dma_start3A_72 = tpu.memref_slice %arg4[%add3A_68, %dma_start3A_71] : memref<204800x128xf32, #tpu.memory_space<hbm>> -> memref<400x128xf32, #tpu.memory_space<hbm>>
    tpu.enqueue_dma source(%arg7 : memref<400x128xf32, #tpu.memory_space<vmem>>) target(%dma_start3A_72 : memref<400x128xf32, #tpu.memory_space<hbm>>) target_semaphore(%arg10 : memref<!tpu.dma_semaphore, #tpu.memory_space<semaphore_mem>>)
    %dma_wait3A_73 = arith.constant 0 : i32
    %dma_wait3A_74 = tpu.memref_slice %arg4[%add3A_48, %dma_wait3A_73] : memref<204800x128xf32, #tpu.memory_space<hbm>> -> memref<400x128xf32, #tpu.memory_space<hbm>>
    %dma_wait3A_75 = arith.constant 0 : i32
    %dma_wait3A_76 = tpu.memref_slice %arg4[%add3A_48, %dma_wait3A_75] : memref<204800x128xf32, #tpu.memory_space<hbm>> -> memref<400x128xf32, #tpu.memory_space<hbm>>
    tpu.wait_dma2 semaphore(%arg9 : memref<!tpu.dma_semaphore, #tpu.memory_space<semaphore_mem>>) src(%arg6 : memref<400x128xf32, #tpu.memory_space<vmem>>) dst(%dma_wait3A_76 : memref<400x128xf32, #tpu.memory_space<hbm>>)
    %dma_start3A_77 = arith.constant 1600 : i32
    %dma_start3A_78 = tpu.memref_slice %arg5[%dma_start3A_77] : memref<6400xi32, #tpu.memory_space<vmem>> -> memref<400xi32, #tpu.memory_space<vmem>>
    %dma_start3A_79 = arith.constant 0 : i32
    %dma_start3A_80 = arith.constant 0 : i32
    %dma_start3A_81 = tpu.memref_slice %arg2[%dma_start3A_79, %dma_start3A_80] : memref<125000x128xf32, #tpu.memory_space<hbm>> -> memref<125000x128xf32, #tpu.memory_space<hbm>>
    tpu.enqueue_indirect_dma source(%dma_start3A_81 : memref<125000x128xf32, #tpu.memory_space<hbm>>) target(%arg6 : memref<400x128xf32, #tpu.memory_space<vmem>>) offsets(%dma_start3A_78 : memref<400xi32, #tpu.memory_space<vmem>>) semaphore(%arg8 : memref<!tpu.dma_semaphore, #tpu.memory_space<semaphore_mem>>)
    %dma_wait3A_82 = arith.constant 1600 : i32
    %dma_wait3A_83 = tpu.memref_slice %arg5[%dma_wait3A_82] : memref<6400xi32, #tpu.memory_space<vmem>> -> memref<400xi32, #tpu.memory_space<vmem>>
    %dma_wait3A_84 = arith.constant 0 : i32
    %dma_wait3A_85 = arith.constant 0 : i32
    %dma_wait3A_86 = tpu.memref_slice %arg2[%dma_wait3A_84, %dma_wait3A_85] : memref<125000x128xf32, #tpu.memory_space<hbm>> -> memref<125000x128xf32, #tpu.memory_space<hbm>>
    tpu.wait_indirect_dma semaphore(%arg8 : memref<!tpu.dma_semaphore, #tpu.memory_space<semaphore_mem>>) src(%dma_wait3A_86 : memref<125000x128xf32, #tpu.memory_space<hbm>>) dst(%arg6 : memref<400x128xf32, #tpu.memory_space<vmem>>)
    %add3A_87 = arith.constant 1600 : i32
    %add3A_88 = arith.addi %mul3A_2, %add3A_87 : i32
    %dma_start3A_89 = arith.constant 0 : i32
    %dma_start3A_90 = tpu.memref_slice %arg4[%add3A_88, %dma_start3A_89] : memref<204800x128xf32, #tpu.memory_space<hbm>> -> memref<400x128xf32, #tpu.memory_space<hbm>>
    %dma_start3A_91 = arith.constant 0 : i32
    %dma_start3A_92 = tpu.memref_slice %arg4[%add3A_88, %dma_start3A_91] : memref<204800x128xf32, #tpu.memory_space<hbm>> -> memref<400x128xf32, #tpu.memory_space<hbm>>
    tpu.enqueue_dma source(%arg6 : memref<400x128xf32, #tpu.memory_space<vmem>>) target(%dma_start3A_92 : memref<400x128xf32, #tpu.memory_space<hbm>>) target_semaphore(%arg9 : memref<!tpu.dma_semaphore, #tpu.memory_space<semaphore_mem>>)
    %dma_wait3A_93 = arith.constant 0 : i32
    %dma_wait3A_94 = tpu.memref_slice %arg4[%add3A_68, %dma_wait3A_93] : memref<204800x128xf32, #tpu.memory_space<hbm>> -> memref<400x128xf32, #tpu.memory_space<hbm>>
    %dma_wait3A_95 = arith.constant 0 : i32
    %dma_wait3A_96 = tpu.memref_slice %arg4[%add3A_68, %dma_wait3A_95] : memref<204800x128xf32, #tpu.memory_space<hbm>> -> memref<400x128xf32, #tpu.memory_space<hbm>>
    tpu.wait_dma2 semaphore(%arg10 : memref<!tpu.dma_semaphore, #tpu.memory_space<semaphore_mem>>) src(%arg7 : memref<400x128xf32, #tpu.memory_space<vmem>>) dst(%dma_wait3A_96 : memref<400x128xf32, #tpu.memory_space<hbm>>)
    %dma_start3A_97 = arith.constant 2000 : i32
    %dma_start3A_98 = tpu.memref_slice %arg5[%dma_start3A_97] : memref<6400xi32, #tpu.memory_space<vmem>> -> memref<400xi32, #tpu.memory_space<vmem>>
    %dma_start3A_99 = arith.constant 0 : i32
    %dma_start3A_100 = arith.constant 0 : i32
    %dma_start3A_101 = tpu.memref_slice %arg2[%dma_start3A_99, %dma_start3A_100] : memref<125000x128xf32, #tpu.memory_space<hbm>> -> memref<125000x128xf32, #tpu.memory_space<hbm>>
    tpu.enqueue_indirect_dma source(%dma_start3A_101 : memref<125000x128xf32, #tpu.memory_space<hbm>>) target(%arg7 : memref<400x128xf32, #tpu.memory_space<vmem>>) offsets(%dma_start3A_98 : memref<400xi32, #tpu.memory_space<vmem>>) semaphore(%arg8 : memref<!tpu.dma_semaphore, #tpu.memory_space<semaphore_mem>>)
    %dma_wait3A_102 = arith.constant 2000 : i32
    %dma_wait3A_103 = tpu.memref_slice %arg5[%dma_wait3A_102] : memref<6400xi32, #tpu.memory_space<vmem>> -> memref<400xi32, #tpu.memory_space<vmem>>
    %dma_wait3A_104 = arith.constant 0 : i32
    %dma_wait3A_105 = arith.constant 0 : i32
    %dma_wait3A_106 = tpu.memref_slice %arg2[%dma_wait3A_104, %dma_wait3A_105] : memref<125000x128xf32, #tpu.memory_space<hbm>> -> memref<125000x128xf32, #tpu.memory_space<hbm>>
    tpu.wait_indirect_dma semaphore(%arg8 : memref<!tpu.dma_semaphore, #tpu.memory_space<semaphore_mem>>) src(%dma_wait3A_106 : memref<125000x128xf32, #tpu.memory_space<hbm>>) dst(%arg7 : memref<400x128xf32, #tpu.memory_space<vmem>>)
    %add3A_107 = arith.constant 2000 : i32
    %add3A_108 = arith.addi %mul3A_2, %add3A_107 : i32
    %dma_start3A_109 = arith.constant 0 : i32
    %dma_start3A_110 = tpu.memref_slice %arg4[%add3A_108, %dma_start3A_109] : memref<204800x128xf32, #tpu.memory_space<hbm>> -> memref<400x128xf32, #tpu.memory_space<hbm>>
    %dma_start3A_111 = arith.constant 0 : i32
    %dma_start3A_112 = tpu.memref_slice %arg4[%add3A_108, %dma_start3A_111] : memref<204800x128xf32, #tpu.memory_space<hbm>> -> memref<400x128xf32, #tpu.memory_space<hbm>>
    tpu.enqueue_dma source(%arg7 : memref<400x128xf32, #tpu.memory_space<vmem>>) target(%dma_start3A_112 : memref<400x128xf32, #tpu.memory_space<hbm>>) target_semaphore(%arg10 : memref<!tpu.dma_semaphore, #tpu.memory_space<semaphore_mem>>)
    %dma_wait3A_113 = arith.constant 0 : i32
    %dma_wait3A_114 = tpu.memref_slice %arg4[%add3A_88, %dma_wait3A_113] : memref<204800x128xf32, #tpu.memory_space<hbm>> -> memref<400x128xf32, #tpu.memory_space<hbm>>
    %dma_wait3A_115 = arith.constant 0 : i32
    %dma_wait3A_116 = tpu.memref_slice %arg4[%add3A_88, %dma_wait3A_115] : memref<204800x128xf32, #tpu.memory_space<hbm>> -> memref<400x128xf32, #tpu.memory_space<hbm>>
    tpu.wait_dma2 semaphore(%arg9 : memref<!tpu.dma_semaphore, #tpu.memory_space<semaphore_mem>>) src(%arg6 : memref<400x128xf32, #tpu.memory_space<vmem>>) dst(%dma_wait3A_116 : memref<400x128xf32, #tpu.memory_space<hbm>>)
    %dma_start3A_117 = arith.constant 2400 : i32
    %dma_start3A_118 = tpu.memref_slice %arg5[%dma_start3A_117] : memref<6400xi32, #tpu.memory_space<vmem>> -> memref<400xi32, #tpu.memory_space<vmem>>
    %dma_start3A_119 = arith.constant 0 : i32
    %dma_start3A_120 = arith.constant 0 : i32
    %dma_start3A_121 = tpu.memref_slice %arg2[%dma_start3A_119, %dma_start3A_120] : memref<125000x128xf32, #tpu.memory_space<hbm>> -> memref<125000x128xf32, #tpu.memory_space<hbm>>
    tpu.enqueue_indirect_dma source(%dma_start3A_121 : memref<125000x128xf32, #tpu.memory_space<hbm>>) target(%arg6 : memref<400x128xf32, #tpu.memory_space<vmem>>) offsets(%dma_start3A_118 : memref<400xi32, #tpu.memory_space<vmem>>) semaphore(%arg8 : memref<!tpu.dma_semaphore, #tpu.memory_space<semaphore_mem>>)
    %dma_wait3A_122 = arith.constant 2400 : i32
    %dma_wait3A_123 = tpu.memref_slice %arg5[%dma_wait3A_122] : memref<6400xi32, #tpu.memory_space<vmem>> -> memref<400xi32, #tpu.memory_space<vmem>>
    %dma_wait3A_124 = arith.constant 0 : i32
    %dma_wait3A_125 = arith.constant 0 : i32
    %dma_wait3A_126 = tpu.memref_slice %arg2[%dma_wait3A_124, %dma_wait3A_125] : memref<125000x128xf32, #tpu.memory_space<hbm>> -> memref<125000x128xf32, #tpu.memory_space<hbm>>
    tpu.wait_indirect_dma semaphore(%arg8 : memref<!tpu.dma_semaphore, #tpu.memory_space<semaphore_mem>>) src(%dma_wait3A_126 : memref<125000x128xf32, #tpu.memory_space<hbm>>) dst(%arg6 : memref<400x128xf32, #tpu.memory_space<vmem>>)
    %add3A_127 = arith.constant 2400 : i32
    %add3A_128 = arith.addi %mul3A_2, %add3A_127 : i32
    %dma_start3A_129 = arith.constant 0 : i32
    %dma_start3A_130 = tpu.memref_slice %arg4[%add3A_128, %dma_start3A_129] : memref<204800x128xf32, #tpu.memory_space<hbm>> -> memref<400x128xf32, #tpu.memory_space<hbm>>
    %dma_start3A_131 = arith.constant 0 : i32
    %dma_start3A_132 = tpu.memref_slice %arg4[%add3A_128, %dma_start3A_131] : memref<204800x128xf32, #tpu.memory_space<hbm>> -> memref<400x128xf32, #tpu.memory_space<hbm>>
    tpu.enqueue_dma source(%arg6 : memref<400x128xf32, #tpu.memory_space<vmem>>) target(%dma_start3A_132 : memref<400x128xf32, #tpu.memory_space<hbm>>) target_semaphore(%arg9 : memref<!tpu.dma_semaphore, #tpu.memory_space<semaphore_mem>>)
    %dma_wait3A_133 = arith.constant 0 : i32
    %dma_wait3A_134 = tpu.memref_slice %arg4[%add3A_108, %dma_wait3A_133] : memref<204800x128xf32, #tpu.memory_space<hbm>> -> memref<400x128xf32, #tpu.memory_space<hbm>>
    %dma_wait3A_135 = arith.constant 0 : i32
    %dma_wait3A_136 = tpu.memref_slice %arg4[%add3A_108, %dma_wait3A_135] : memref<204800x128xf32, #tpu.memory_space<hbm>> -> memref<400x128xf32, #tpu.memory_space<hbm>>
    tpu.wait_dma2 semaphore(%arg10 : memref<!tpu.dma_semaphore, #tpu.memory_space<semaphore_mem>>) src(%arg7 : memref<400x128xf32, #tpu.memory_space<vmem>>) dst(%dma_wait3A_136 : memref<400x128xf32, #tpu.memory_space<hbm>>)
    %dma_start3A_137 = arith.constant 2800 : i32
    %dma_start3A_138 = tpu.memref_slice %arg5[%dma_start3A_137] : memref<6400xi32, #tpu.memory_space<vmem>> -> memref<400xi32, #tpu.memory_space<vmem>>
    %dma_start3A_139 = arith.constant 0 : i32
    %dma_start3A_140 = arith.constant 0 : i32
    %dma_start3A_141 = tpu.memref_slice %arg2[%dma_start3A_139, %dma_start3A_140] : memref<125000x128xf32, #tpu.memory_space<hbm>> -> memref<125000x128xf32, #tpu.memory_space<hbm>>
    tpu.enqueue_indirect_dma source(%dma_start3A_141 : memref<125000x128xf32, #tpu.memory_space<hbm>>) target(%arg7 : memref<400x128xf32, #tpu.memory_space<vmem>>) offsets(%dma_start3A_138 : memref<400xi32, #tpu.memory_space<vmem>>) semaphore(%arg8 : memref<!tpu.dma_semaphore, #tpu.memory_space<semaphore_mem>>)
    %dma_wait3A_142 = arith.constant 2800 : i32
    %dma_wait3A_143 = tpu.memref_slice %arg5[%dma_wait3A_142] : memref<6400xi32, #tpu.memory_space<vmem>> -> memref<400xi32, #tpu.memory_space<vmem>>
    %dma_wait3A_144 = arith.constant 0 : i32
    %dma_wait3A_145 = arith.constant 0 : i32
    %dma_wait3A_146 = tpu.memref_slice %arg2[%dma_wait3A_144, %dma_wait3A_145] : memref<125000x128xf32, #tpu.memory_space<hbm>> -> memref<125000x128xf32, #tpu.memory_space<hbm>>
    tpu.wait_indirect_dma semaphore(%arg8 : memref<!tpu.dma_semaphore, #tpu.memory_space<semaphore_mem>>) src(%dma_wait3A_146 : memref<125000x128xf32, #tpu.memory_space<hbm>>) dst(%arg7 : memref<400x128xf32, #tpu.memory_space<vmem>>)
    %add3A_147 = arith.constant 2800 : i32
    %add3A_148 = arith.addi %mul3A_2, %add3A_147 : i32
    %dma_start3A_149 = arith.constant 0 : i32
    %dma_start3A_150 = tpu.memref_slice %arg4[%add3A_148, %dma_start3A_149] : memref<204800x128xf32, #tpu.memory_space<hbm>> -> memref<400x128xf32, #tpu.memory_space<hbm>>
    %dma_start3A_151 = arith.constant 0 : i32
    %dma_start3A_152 = tpu.memref_slice %arg4[%add3A_148, %dma_start3A_151] : memref<204800x128xf32, #tpu.memory_space<hbm>> -> memref<400x128xf32, #tpu.memory_space<hbm>>
    tpu.enqueue_dma source(%arg7 : memref<400x128xf32, #tpu.memory_space<vmem>>) target(%dma_start3A_152 : memref<400x128xf32, #tpu.memory_space<hbm>>) target_semaphore(%arg10 : memref<!tpu.dma_semaphore, #tpu.memory_space<semaphore_mem>>)
    %dma_wait3A_153 = arith.constant 0 : i32
    %dma_wait3A_154 = tpu.memref_slice %arg4[%add3A_128, %dma_wait3A_153] : memref<204800x128xf32, #tpu.memory_space<hbm>> -> memref<400x128xf32, #tpu.memory_space<hbm>>
    %dma_wait3A_155 = arith.constant 0 : i32
    %dma_wait3A_156 = tpu.memref_slice %arg4[%add3A_128, %dma_wait3A_155] : memref<204800x128xf32, #tpu.memory_space<hbm>> -> memref<400x128xf32, #tpu.memory_space<hbm>>
    tpu.wait_dma2 semaphore(%arg9 : memref<!tpu.dma_semaphore, #tpu.memory_space<semaphore_mem>>) src(%arg6 : memref<400x128xf32, #tpu.memory_space<vmem>>) dst(%dma_wait3A_156 : memref<400x128xf32, #tpu.memory_space<hbm>>)
    %dma_start3A_157 = arith.constant 3200 : i32
    %dma_start3A_158 = tpu.memref_slice %arg5[%dma_start3A_157] : memref<6400xi32, #tpu.memory_space<vmem>> -> memref<400xi32, #tpu.memory_space<vmem>>
    %dma_start3A_159 = arith.constant 0 : i32
    %dma_start3A_160 = arith.constant 0 : i32
    %dma_start3A_161 = tpu.memref_slice %arg2[%dma_start3A_159, %dma_start3A_160] : memref<125000x128xf32, #tpu.memory_space<hbm>> -> memref<125000x128xf32, #tpu.memory_space<hbm>>
    tpu.enqueue_indirect_dma source(%dma_start3A_161 : memref<125000x128xf32, #tpu.memory_space<hbm>>) target(%arg6 : memref<400x128xf32, #tpu.memory_space<vmem>>) offsets(%dma_start3A_158 : memref<400xi32, #tpu.memory_space<vmem>>) semaphore(%arg8 : memref<!tpu.dma_semaphore, #tpu.memory_space<semaphore_mem>>)
    %dma_wait3A_162 = arith.constant 3200 : i32
    %dma_wait3A_163 = tpu.memref_slice %arg5[%dma_wait3A_162] : memref<6400xi32, #tpu.memory_space<vmem>> -> memref<400xi32, #tpu.memory_space<vmem>>
    %dma_wait3A_164 = arith.constant 0 : i32
    %dma_wait3A_165 = arith.constant 0 : i32
    %dma_wait3A_166 = tpu.memref_slice %arg2[%dma_wait3A_164, %dma_wait3A_165] : memref<125000x128xf32, #tpu.memory_space<hbm>> -> memref<125000x128xf32, #tpu.memory_space<hbm>>
    tpu.wait_indirect_dma semaphore(%arg8 : memref<!tpu.dma_semaphore, #tpu.memory_space<semaphore_mem>>) src(%dma_wait3A_166 : memref<125000x128xf32, #tpu.memory_space<hbm>>) dst(%arg6 : memref<400x128xf32, #tpu.memory_space<vmem>>)
    %add3A_167 = arith.constant 3200 : i32
    %add3A_168 = arith.addi %mul3A_2, %add3A_167 : i32
    %dma_start3A_169 = arith.constant 0 : i32
    %dma_start3A_170 = tpu.memref_slice %arg4[%add3A_168, %dma_start3A_169] : memref<204800x128xf32, #tpu.memory_space<hbm>> -> memref<400x128xf32, #tpu.memory_space<hbm>>
    %dma_start3A_171 = arith.constant 0 : i32
    %dma_start3A_172 = tpu.memref_slice %arg4[%add3A_168, %dma_start3A_171] : memref<204800x128xf32, #tpu.memory_space<hbm>> -> memref<400x128xf32, #tpu.memory_space<hbm>>
    tpu.enqueue_dma source(%arg6 : memref<400x128xf32, #tpu.memory_space<vmem>>) target(%dma_start3A_172 : memref<400x128xf32, #tpu.memory_space<hbm>>) target_semaphore(%arg9 : memref<!tpu.dma_semaphore, #tpu.memory_space<semaphore_mem>>)
    %dma_wait3A_173 = arith.constant 0 : i32
    %dma_wait3A_174 = tpu.memref_slice %arg4[%add3A_148, %dma_wait3A_173] : memref<204800x128xf32, #tpu.memory_space<hbm>> -> memref<400x128xf32, #tpu.memory_space<hbm>>
    %dma_wait3A_175 = arith.constant 0 : i32
    %dma_wait3A_176 = tpu.memref_slice %arg4[%add3A_148, %dma_wait3A_175] : memref<204800x128xf32, #tpu.memory_space<hbm>> -> memref<400x128xf32, #tpu.memory_space<hbm>>
    tpu.wait_dma2 semaphore(%arg10 : memref<!tpu.dma_semaphore, #tpu.memory_space<semaphore_mem>>) src(%arg7 : memref<400x128xf32, #tpu.memory_space<vmem>>) dst(%dma_wait3A_176 : memref<400x128xf32, #tpu.memory_space<hbm>>)
    %dma_start3A_177 = arith.constant 3600 : i32
    %dma_start3A_178 = tpu.memref_slice %arg5[%dma_start3A_177] : memref<6400xi32, #tpu.memory_space<vmem>> -> memref<400xi32, #tpu.memory_space<vmem>>
    %dma_start3A_179 = arith.constant 0 : i32
    %dma_start3A_180 = arith.constant 0 : i32
    %dma_start3A_181 = tpu.memref_slice %arg2[%dma_start3A_179, %dma_start3A_180] : memref<125000x128xf32, #tpu.memory_space<hbm>> -> memref<125000x128xf32, #tpu.memory_space<hbm>>
    tpu.enqueue_indirect_dma source(%dma_start3A_181 : memref<125000x128xf32, #tpu.memory_space<hbm>>) target(%arg7 : memref<400x128xf32, #tpu.memory_space<vmem>>) offsets(%dma_start3A_178 : memref<400xi32, #tpu.memory_space<vmem>>) semaphore(%arg8 : memref<!tpu.dma_semaphore, #tpu.memory_space<semaphore_mem>>)
    %dma_wait3A_182 = arith.constant 3600 : i32
    %dma_wait3A_183 = tpu.memref_slice %arg5[%dma_wait3A_182] : memref<6400xi32, #tpu.memory_space<vmem>> -> memref<400xi32, #tpu.memory_space<vmem>>
    %dma_wait3A_184 = arith.constant 0 : i32
    %dma_wait3A_185 = arith.constant 0 : i32
    %dma_wait3A_186 = tpu.memref_slice %arg2[%dma_wait3A_184, %dma_wait3A_185] : memref<125000x128xf32, #tpu.memory_space<hbm>> -> memref<125000x128xf32, #tpu.memory_space<hbm>>
    tpu.wait_indirect_dma semaphore(%arg8 : memref<!tpu.dma_semaphore, #tpu.memory_space<semaphore_mem>>) src(%dma_wait3A_186 : memref<125000x128xf32, #tpu.memory_space<hbm>>) dst(%arg7 : memref<400x128xf32, #tpu.memory_space<vmem>>)
    %add3A_187 = arith.constant 3600 : i32
    %add3A_188 = arith.addi %mul3A_2, %add3A_187 : i32
    %dma_start3A_189 = arith.constant 0 : i32
    %dma_start3A_190 = tpu.memref_slice %arg4[%add3A_188, %dma_start3A_189] : memref<204800x128xf32, #tpu.memory_space<hbm>> -> memref<400x128xf32, #tpu.memory_space<hbm>>
    %dma_start3A_191 = arith.constant 0 : i32
    %dma_start3A_192 = tpu.memref_slice %arg4[%add3A_188, %dma_start3A_191] : memref<204800x128xf32, #tpu.memory_space<hbm>> -> memref<400x128xf32, #tpu.memory_space<hbm>>
    tpu.enqueue_dma source(%arg7 : memref<400x128xf32, #tpu.memory_space<vmem>>) target(%dma_start3A_192 : memref<400x128xf32, #tpu.memory_space<hbm>>) target_semaphore(%arg10 : memref<!tpu.dma_semaphore, #tpu.memory_space<semaphore_mem>>)
    %dma_wait3A_193 = arith.constant 0 : i32
    %dma_wait3A_194 = tpu.memref_slice %arg4[%add3A_168, %dma_wait3A_193] : memref<204800x128xf32, #tpu.memory_space<hbm>> -> memref<400x128xf32, #tpu.memory_space<hbm>>
    %dma_wait3A_195 = arith.constant 0 : i32
    %dma_wait3A_196 = tpu.memref_slice %arg4[%add3A_168, %dma_wait3A_195] : memref<204800x128xf32, #tpu.memory_space<hbm>> -> memref<400x128xf32, #tpu.memory_space<hbm>>
    tpu.wait_dma2 semaphore(%arg9 : memref<!tpu.dma_semaphore, #tpu.memory_space<semaphore_mem>>) src(%arg6 : memref<400x128xf32, #tpu.memory_space<vmem>>) dst(%dma_wait3A_196 : memref<400x128xf32, #tpu.memory_space<hbm>>)
    %dma_start3A_197 = arith.constant 4000 : i32
    %dma_start3A_198 = tpu.memref_slice %arg5[%dma_start3A_197] : memref<6400xi32, #tpu.memory_space<vmem>> -> memref<400xi32, #tpu.memory_space<vmem>>
    %dma_start3A_199 = arith.constant 0 : i32
    %dma_start3A_200 = arith.constant 0 : i32
    %dma_start3A_201 = tpu.memref_slice %arg2[%dma_start3A_199, %dma_start3A_200] : memref<125000x128xf32, #tpu.memory_space<hbm>> -> memref<125000x128xf32, #tpu.memory_space<hbm>>
    tpu.enqueue_indirect_dma source(%dma_start3A_201 : memref<125000x128xf32, #tpu.memory_space<hbm>>) target(%arg6 : memref<400x128xf32, #tpu.memory_space<vmem>>) offsets(%dma_start3A_198 : memref<400xi32, #tpu.memory_space<vmem>>) semaphore(%arg8 : memref<!tpu.dma_semaphore, #tpu.memory_space<semaphore_mem>>)
    %dma_wait3A_202 = arith.constant 4000 : i32
    %dma_wait3A_203 = tpu.memref_slice %arg5[%dma_wait3A_202] : memref<6400xi32, #tpu.memory_space<vmem>> -> memref<400xi32, #tpu.memory_space<vmem>>
    %dma_wait3A_204 = arith.constant 0 : i32
    %dma_wait3A_205 = arith.constant 0 : i32
    %dma_wait3A_206 = tpu.memref_slice %arg2[%dma_wait3A_204, %dma_wait3A_205] : memref<125000x128xf32, #tpu.memory_space<hbm>> -> memref<125000x128xf32, #tpu.memory_space<hbm>>
    tpu.wait_indirect_dma semaphore(%arg8 : memref<!tpu.dma_semaphore, #tpu.memory_space<semaphore_mem>>) src(%dma_wait3A_206 : memref<125000x128xf32, #tpu.memory_space<hbm>>) dst(%arg6 : memref<400x128xf32, #tpu.memory_space<vmem>>)
    %add3A_207 = arith.constant 4000 : i32
    %add3A_208 = arith.addi %mul3A_2, %add3A_207 : i32
    %dma_start3A_209 = arith.constant 0 : i32
    %dma_start3A_210 = tpu.memref_slice %arg4[%add3A_208, %dma_start3A_209] : memref<204800x128xf32, #tpu.memory_space<hbm>> -> memref<400x128xf32, #tpu.memory_space<hbm>>
    %dma_start3A_211 = arith.constant 0 : i32
    %dma_start3A_212 = tpu.memref_slice %arg4[%add3A_208, %dma_start3A_211] : memref<204800x128xf32, #tpu.memory_space<hbm>> -> memref<400x128xf32, #tpu.memory_space<hbm>>
    tpu.enqueue_dma source(%arg6 : memref<400x128xf32, #tpu.memory_space<vmem>>) target(%dma_start3A_212 : memref<400x128xf32, #tpu.memory_space<hbm>>) target_semaphore(%arg9 : memref<!tpu.dma_semaphore, #tpu.memory_space<semaphore_mem>>)
    %dma_wait3A_213 = arith.constant 0 : i32
    %dma_wait3A_214 = tpu.memref_slice %arg4[%add3A_188, %dma_wait3A_213] : memref<204800x128xf32, #tpu.memory_space<hbm>> -> memref<400x128xf32, #tpu.memory_space<hbm>>
    %dma_wait3A_215 = arith.constant 0 : i32
    %dma_wait3A_216 = tpu.memref_slice %arg4[%add3A_188, %dma_wait3A_215] : memref<204800x128xf32, #tpu.memory_space<hbm>> -> memref<400x128xf32, #tpu.memory_space<hbm>>
    tpu.wait_dma2 semaphore(%arg10 : memref<!tpu.dma_semaphore, #tpu.memory_space<semaphore_mem>>) src(%arg7 : memref<400x128xf32, #tpu.memory_space<vmem>>) dst(%dma_wait3A_216 : memref<400x128xf32, #tpu.memory_space<hbm>>)
    %dma_start3A_217 = arith.constant 4400 : i32
    %dma_start3A_218 = tpu.memref_slice %arg5[%dma_start3A_217] : memref<6400xi32, #tpu.memory_space<vmem>> -> memref<400xi32, #tpu.memory_space<vmem>>
    %dma_start3A_219 = arith.constant 0 : i32
    %dma_start3A_220 = arith.constant 0 : i32
    %dma_start3A_221 = tpu.memref_slice %arg2[%dma_start3A_219, %dma_start3A_220] : memref<125000x128xf32, #tpu.memory_space<hbm>> -> memref<125000x128xf32, #tpu.memory_space<hbm>>
    tpu.enqueue_indirect_dma source(%dma_start3A_221 : memref<125000x128xf32, #tpu.memory_space<hbm>>) target(%arg7 : memref<400x128xf32, #tpu.memory_space<vmem>>) offsets(%dma_start3A_218 : memref<400xi32, #tpu.memory_space<vmem>>) semaphore(%arg8 : memref<!tpu.dma_semaphore, #tpu.memory_space<semaphore_mem>>)
    %dma_wait3A_222 = arith.constant 4400 : i32
    %dma_wait3A_223 = tpu.memref_slice %arg5[%dma_wait3A_222] : memref<6400xi32, #tpu.memory_space<vmem>> -> memref<400xi32, #tpu.memory_space<vmem>>
    %dma_wait3A_224 = arith.constant 0 : i32
    %dma_wait3A_225 = arith.constant 0 : i32
    %dma_wait3A_226 = tpu.memref_slice %arg2[%dma_wait3A_224, %dma_wait3A_225] : memref<125000x128xf32, #tpu.memory_space<hbm>> -> memref<125000x128xf32, #tpu.memory_space<hbm>>
    tpu.wait_indirect_dma semaphore(%arg8 : memref<!tpu.dma_semaphore, #tpu.memory_space<semaphore_mem>>) src(%dma_wait3A_226 : memref<125000x128xf32, #tpu.memory_space<hbm>>) dst(%arg7 : memref<400x128xf32, #tpu.memory_space<vmem>>)
    %add3A_227 = arith.constant 4400 : i32
    %add3A_228 = arith.addi %mul3A_2, %add3A_227 : i32
    %dma_start3A_229 = arith.constant 0 : i32
    %dma_start3A_230 = tpu.memref_slice %arg4[%add3A_228, %dma_start3A_229] : memref<204800x128xf32, #tpu.memory_space<hbm>> -> memref<400x128xf32, #tpu.memory_space<hbm>>
    %dma_start3A_231 = arith.constant 0 : i32
    %dma_start3A_232 = tpu.memref_slice %arg4[%add3A_228, %dma_start3A_231] : memref<204800x128xf32, #tpu.memory_space<hbm>> -> memref<400x128xf32, #tpu.memory_space<hbm>>
    tpu.enqueue_dma source(%arg7 : memref<400x128xf32, #tpu.memory_space<vmem>>) target(%dma_start3A_232 : memref<400x128xf32, #tpu.memory_space<hbm>>) target_semaphore(%arg10 : memref<!tpu.dma_semaphore, #tpu.memory_space<semaphore_mem>>)
    %dma_wait3A_233 = arith.constant 0 : i32
    %dma_wait3A_234 = tpu.memref_slice %arg4[%add3A_208, %dma_wait3A_233] : memref<204800x128xf32, #tpu.memory_space<hbm>> -> memref<400x128xf32, #tpu.memory_space<hbm>>
    %dma_wait3A_235 = arith.constant 0 : i32
    %dma_wait3A_236 = tpu.memref_slice %arg4[%add3A_208, %dma_wait3A_235] : memref<204800x128xf32, #tpu.memory_space<hbm>> -> memref<400x128xf32, #tpu.memory_space<hbm>>
    tpu.wait_dma2 semaphore(%arg9 : memref<!tpu.dma_semaphore, #tpu.memory_space<semaphore_mem>>) src(%arg6 : memref<400x128xf32, #tpu.memory_space<vmem>>) dst(%dma_wait3A_236 : memref<400x128xf32, #tpu.memory_space<hbm>>)
    %dma_start3A_237 = arith.constant 4800 : i32
    %dma_start3A_238 = tpu.memref_slice %arg5[%dma_start3A_237] : memref<6400xi32, #tpu.memory_space<vmem>> -> memref<400xi32, #tpu.memory_space<vmem>>
    %dma_start3A_239 = arith.constant 0 : i32
    %dma_start3A_240 = arith.constant 0 : i32
    %dma_start3A_241 = tpu.memref_slice %arg2[%dma_start3A_239, %dma_start3A_240] : memref<125000x128xf32, #tpu.memory_space<hbm>> -> memref<125000x128xf32, #tpu.memory_space<hbm>>
    tpu.enqueue_indirect_dma source(%dma_start3A_241 : memref<125000x128xf32, #tpu.memory_space<hbm>>) target(%arg6 : memref<400x128xf32, #tpu.memory_space<vmem>>) offsets(%dma_start3A_238 : memref<400xi32, #tpu.memory_space<vmem>>) semaphore(%arg8 : memref<!tpu.dma_semaphore, #tpu.memory_space<semaphore_mem>>)
    %dma_wait3A_242 = arith.constant 4800 : i32
    %dma_wait3A_243 = tpu.memref_slice %arg5[%dma_wait3A_242] : memref<6400xi32, #tpu.memory_space<vmem>> -> memref<400xi32, #tpu.memory_space<vmem>>
    %dma_wait3A_244 = arith.constant 0 : i32
    %dma_wait3A_245 = arith.constant 0 : i32
    %dma_wait3A_246 = tpu.memref_slice %arg2[%dma_wait3A_244, %dma_wait3A_245] : memref<125000x128xf32, #tpu.memory_space<hbm>> -> memref<125000x128xf32, #tpu.memory_space<hbm>>
    tpu.wait_indirect_dma semaphore(%arg8 : memref<!tpu.dma_semaphore, #tpu.memory_space<semaphore_mem>>) src(%dma_wait3A_246 : memref<125000x128xf32, #tpu.memory_space<hbm>>) dst(%arg6 : memref<400x128xf32, #tpu.memory_space<vmem>>)
    %add3A_247 = arith.constant 4800 : i32
    %add3A_248 = arith.addi %mul3A_2, %add3A_247 : i32
    %dma_start3A_249 = arith.constant 0 : i32
    %dma_start3A_250 = tpu.memref_slice %arg4[%add3A_248, %dma_start3A_249] : memref<204800x128xf32, #tpu.memory_space<hbm>> -> memref<400x128xf32, #tpu.memory_space<hbm>>
    %dma_start3A_251 = arith.constant 0 : i32
    %dma_start3A_252 = tpu.memref_slice %arg4[%add3A_248, %dma_start3A_251] : memref<204800x128xf32, #tpu.memory_space<hbm>> -> memref<400x128xf32, #tpu.memory_space<hbm>>
    tpu.enqueue_dma source(%arg6 : memref<400x128xf32, #tpu.memory_space<vmem>>) target(%dma_start3A_252 : memref<400x128xf32, #tpu.memory_space<hbm>>) target_semaphore(%arg9 : memref<!tpu.dma_semaphore, #tpu.memory_space<semaphore_mem>>)
    %dma_wait3A_253 = arith.constant 0 : i32
    %dma_wait3A_254 = tpu.memref_slice %arg4[%add3A_228, %dma_wait3A_253] : memref<204800x128xf32, #tpu.memory_space<hbm>> -> memref<400x128xf32, #tpu.memory_space<hbm>>
    %dma_wait3A_255 = arith.constant 0 : i32
    %dma_wait3A_256 = tpu.memref_slice %arg4[%add3A_228, %dma_wait3A_255] : memref<204800x128xf32, #tpu.memory_space<hbm>> -> memref<400x128xf32, #tpu.memory_space<hbm>>
    tpu.wait_dma2 semaphore(%arg10 : memref<!tpu.dma_semaphore, #tpu.memory_space<semaphore_mem>>) src(%arg7 : memref<400x128xf32, #tpu.memory_space<vmem>>) dst(%dma_wait3A_256 : memref<400x128xf32, #tpu.memory_space<hbm>>)
    %dma_start3A_257 = arith.constant 5200 : i32
    %dma_start3A_258 = tpu.memref_slice %arg5[%dma_start3A_257] : memref<6400xi32, #tpu.memory_space<vmem>> -> memref<400xi32, #tpu.memory_space<vmem>>
    %dma_start3A_259 = arith.constant 0 : i32
    %dma_start3A_260 = arith.constant 0 : i32
    %dma_start3A_261 = tpu.memref_slice %arg2[%dma_start3A_259, %dma_start3A_260] : memref<125000x128xf32, #tpu.memory_space<hbm>> -> memref<125000x128xf32, #tpu.memory_space<hbm>>
    tpu.enqueue_indirect_dma source(%dma_start3A_261 : memref<125000x128xf32, #tpu.memory_space<hbm>>) target(%arg7 : memref<400x128xf32, #tpu.memory_space<vmem>>) offsets(%dma_start3A_258 : memref<400xi32, #tpu.memory_space<vmem>>) semaphore(%arg8 : memref<!tpu.dma_semaphore, #tpu.memory_space<semaphore_mem>>)
    %dma_wait3A_262 = arith.constant 5200 : i32
    %dma_wait3A_263 = tpu.memref_slice %arg5[%dma_wait3A_262] : memref<6400xi32, #tpu.memory_space<vmem>> -> memref<400xi32, #tpu.memory_space<vmem>>
    %dma_wait3A_264 = arith.constant 0 : i32
    %dma_wait3A_265 = arith.constant 0 : i32
    %dma_wait3A_266 = tpu.memref_slice %arg2[%dma_wait3A_264, %dma_wait3A_265] : memref<125000x128xf32, #tpu.memory_space<hbm>> -> memref<125000x128xf32, #tpu.memory_space<hbm>>
    tpu.wait_indirect_dma semaphore(%arg8 : memref<!tpu.dma_semaphore, #tpu.memory_space<semaphore_mem>>) src(%dma_wait3A_266 : memref<125000x128xf32, #tpu.memory_space<hbm>>) dst(%arg7 : memref<400x128xf32, #tpu.memory_space<vmem>>)
    %add3A_267 = arith.constant 5200 : i32
    %add3A_268 = arith.addi %mul3A_2, %add3A_267 : i32
    %dma_start3A_269 = arith.constant 0 : i32
    %dma_start3A_270 = tpu.memref_slice %arg4[%add3A_268, %dma_start3A_269] : memref<204800x128xf32, #tpu.memory_space<hbm>> -> memref<400x128xf32, #tpu.memory_space<hbm>>
    %dma_start3A_271 = arith.constant 0 : i32
    %dma_start3A_272 = tpu.memref_slice %arg4[%add3A_268, %dma_start3A_271] : memref<204800x128xf32, #tpu.memory_space<hbm>> -> memref<400x128xf32, #tpu.memory_space<hbm>>
    tpu.enqueue_dma source(%arg7 : memref<400x128xf32, #tpu.memory_space<vmem>>) target(%dma_start3A_272 : memref<400x128xf32, #tpu.memory_space<hbm>>) target_semaphore(%arg10 : memref<!tpu.dma_semaphore, #tpu.memory_space<semaphore_mem>>)
    %dma_wait3A_273 = arith.constant 0 : i32
    %dma_wait3A_274 = tpu.memref_slice %arg4[%add3A_248, %dma_wait3A_273] : memref<204800x128xf32, #tpu.memory_space<hbm>> -> memref<400x128xf32, #tpu.memory_space<hbm>>
    %dma_wait3A_275 = arith.constant 0 : i32
    %dma_wait3A_276 = tpu.memref_slice %arg4[%add3A_248, %dma_wait3A_275] : memref<204800x128xf32, #tpu.memory_space<hbm>> -> memref<400x128xf32, #tpu.memory_space<hbm>>
    tpu.wait_dma2 semaphore(%arg9 : memref<!tpu.dma_semaphore, #tpu.memory_space<semaphore_mem>>) src(%arg6 : memref<400x128xf32, #tpu.memory_space<vmem>>) dst(%dma_wait3A_276 : memref<400x128xf32, #tpu.memory_space<hbm>>)
    %dma_start3A_277 = arith.constant 5600 : i32
    %dma_start3A_278 = tpu.memref_slice %arg5[%dma_start3A_277] : memref<6400xi32, #tpu.memory_space<vmem>> -> memref<400xi32, #tpu.memory_space<vmem>>
    %dma_start3A_279 = arith.constant 0 : i32
    %dma_start3A_280 = arith.constant 0 : i32
    %dma_start3A_281 = tpu.memref_slice %arg2[%dma_start3A_279, %dma_start3A_280] : memref<125000x128xf32, #tpu.memory_space<hbm>> -> memref<125000x128xf32, #tpu.memory_space<hbm>>
    tpu.enqueue_indirect_dma source(%dma_start3A_281 : memref<125000x128xf32, #tpu.memory_space<hbm>>) target(%arg6 : memref<400x128xf32, #tpu.memory_space<vmem>>) offsets(%dma_start3A_278 : memref<400xi32, #tpu.memory_space<vmem>>) semaphore(%arg8 : memref<!tpu.dma_semaphore, #tpu.memory_space<semaphore_mem>>)
    %dma_wait3A_282 = arith.constant 5600 : i32
    %dma_wait3A_283 = tpu.memref_slice %arg5[%dma_wait3A_282] : memref<6400xi32, #tpu.memory_space<vmem>> -> memref<400xi32, #tpu.memory_space<vmem>>
    %dma_wait3A_284 = arith.constant 0 : i32
    %dma_wait3A_285 = arith.constant 0 : i32
    %dma_wait3A_286 = tpu.memref_slice %arg2[%dma_wait3A_284, %dma_wait3A_285] : memref<125000x128xf32, #tpu.memory_space<hbm>> -> memref<125000x128xf32, #tpu.memory_space<hbm>>
    tpu.wait_indirect_dma semaphore(%arg8 : memref<!tpu.dma_semaphore, #tpu.memory_space<semaphore_mem>>) src(%dma_wait3A_286 : memref<125000x128xf32, #tpu.memory_space<hbm>>) dst(%arg6 : memref<400x128xf32, #tpu.memory_space<vmem>>)
    %add3A_287 = arith.constant 5600 : i32
    %add3A_288 = arith.addi %mul3A_2, %add3A_287 : i32
    %dma_start3A_289 = arith.constant 0 : i32
    %dma_start3A_290 = tpu.memref_slice %arg4[%add3A_288, %dma_start3A_289] : memref<204800x128xf32, #tpu.memory_space<hbm>> -> memref<400x128xf32, #tpu.memory_space<hbm>>
    %dma_start3A_291 = arith.constant 0 : i32
    %dma_start3A_292 = tpu.memref_slice %arg4[%add3A_288, %dma_start3A_291] : memref<204800x128xf32, #tpu.memory_space<hbm>> -> memref<400x128xf32, #tpu.memory_space<hbm>>
    tpu.enqueue_dma source(%arg6 : memref<400x128xf32, #tpu.memory_space<vmem>>) target(%dma_start3A_292 : memref<400x128xf32, #tpu.memory_space<hbm>>) target_semaphore(%arg9 : memref<!tpu.dma_semaphore, #tpu.memory_space<semaphore_mem>>)
    %dma_wait3A_293 = arith.constant 0 : i32
    %dma_wait3A_294 = tpu.memref_slice %arg4[%add3A_268, %dma_wait3A_293] : memref<204800x128xf32, #tpu.memory_space<hbm>> -> memref<400x128xf32, #tpu.memory_space<hbm>>
    %dma_wait3A_295 = arith.constant 0 : i32
    %dma_wait3A_296 = tpu.memref_slice %arg4[%add3A_268, %dma_wait3A_295] : memref<204800x128xf32, #tpu.memory_space<hbm>> -> memref<400x128xf32, #tpu.memory_space<hbm>>
    tpu.wait_dma2 semaphore(%arg10 : memref<!tpu.dma_semaphore, #tpu.memory_space<semaphore_mem>>) src(%arg7 : memref<400x128xf32, #tpu.memory_space<vmem>>) dst(%dma_wait3A_296 : memref<400x128xf32, #tpu.memory_space<hbm>>)
    %dma_start3A_297 = arith.constant 6000 : i32
    %dma_start3A_298 = tpu.memref_slice %arg5[%dma_start3A_297] : memref<6400xi32, #tpu.memory_space<vmem>> -> memref<400xi32, #tpu.memory_space<vmem>>
    %dma_start3A_299 = arith.constant 0 : i32
    %dma_start3A_300 = arith.constant 0 : i32
    %dma_start3A_301 = tpu.memref_slice %arg2[%dma_start3A_299, %dma_start3A_300] : memref<125000x128xf32, #tpu.memory_space<hbm>> -> memref<125000x128xf32, #tpu.memory_space<hbm>>
    tpu.enqueue_indirect_dma source(%dma_start3A_301 : memref<125000x128xf32, #tpu.memory_space<hbm>>) target(%arg7 : memref<400x128xf32, #tpu.memory_space<vmem>>) offsets(%dma_start3A_298 : memref<400xi32, #tpu.memory_space<vmem>>) semaphore(%arg8 : memref<!tpu.dma_semaphore, #tpu.memory_space<semaphore_mem>>)
    %dma_wait3A_302 = arith.constant 6000 : i32
    %dma_wait3A_303 = tpu.memref_slice %arg5[%dma_wait3A_302] : memref<6400xi32, #tpu.memory_space<vmem>> -> memref<400xi32, #tpu.memory_space<vmem>>
    %dma_wait3A_304 = arith.constant 0 : i32
    %dma_wait3A_305 = arith.constant 0 : i32
    %dma_wait3A_306 = tpu.memref_slice %arg2[%dma_wait3A_304, %dma_wait3A_305] : memref<125000x128xf32, #tpu.memory_space<hbm>> -> memref<125000x128xf32, #tpu.memory_space<hbm>>
    tpu.wait_indirect_dma semaphore(%arg8 : memref<!tpu.dma_semaphore, #tpu.memory_space<semaphore_mem>>) src(%dma_wait3A_306 : memref<125000x128xf32, #tpu.memory_space<hbm>>) dst(%arg7 : memref<400x128xf32, #tpu.memory_space<vmem>>)
    %add3A_307 = arith.constant 6000 : i32
    %add3A_308 = arith.addi %mul3A_2, %add3A_307 : i32
    %dma_start3A_309 = arith.constant 0 : i32
    %dma_start3A_310 = tpu.memref_slice %arg4[%add3A_308, %dma_start3A_309] : memref<204800x128xf32, #tpu.memory_space<hbm>> -> memref<400x128xf32, #tpu.memory_space<hbm>>
    %dma_start3A_311 = arith.constant 0 : i32
    %dma_start3A_312 = tpu.memref_slice %arg4[%add3A_308, %dma_start3A_311] : memref<204800x128xf32, #tpu.memory_space<hbm>> -> memref<400x128xf32, #tpu.memory_space<hbm>>
    tpu.enqueue_dma source(%arg7 : memref<400x128xf32, #tpu.memory_space<vmem>>) target(%dma_start3A_312 : memref<400x128xf32, #tpu.memory_space<hbm>>) target_semaphore(%arg10 : memref<!tpu.dma_semaphore, #tpu.memory_space<semaphore_mem>>)
    %dma_wait3A_313 = arith.constant 0 : i32
    %dma_wait3A_314 = tpu.memref_slice %arg4[%add3A_288, %dma_wait3A_313] : memref<204800x128xf32, #tpu.memory_space<hbm>> -> memref<400x128xf32, #tpu.memory_space<hbm>>
    %dma_wait3A_315 = arith.constant 0 : i32
    %dma_wait3A_316 = tpu.memref_slice %arg4[%add3A_288, %dma_wait3A_315] : memref<204800x128xf32, #tpu.memory_space<hbm>> -> memref<400x128xf32, #tpu.memory_space<hbm>>
    tpu.wait_dma2 semaphore(%arg9 : memref<!tpu.dma_semaphore, #tpu.memory_space<semaphore_mem>>) src(%arg6 : memref<400x128xf32, #tpu.memory_space<vmem>>) dst(%dma_wait3A_316 : memref<400x128xf32, #tpu.memory_space<hbm>>)
    %dma_wait3A_317 = arith.constant 0 : i32
    %dma_wait3A_318 = tpu.memref_slice %arg4[%add3A_308, %dma_wait3A_317] : memref<204800x128xf32, #tpu.memory_space<hbm>> -> memref<400x128xf32, #tpu.memory_space<hbm>>
    %dma_wait3A_319 = arith.constant 0 : i32
    %dma_wait3A_320 = tpu.memref_slice %arg4[%add3A_308, %dma_wait3A_319] : memref<204800x128xf32, #tpu.memory_space<hbm>> -> memref<400x128xf32, #tpu.memory_space<hbm>>
    tpu.wait_dma2 semaphore(%arg10 : memref<!tpu.dma_semaphore, #tpu.memory_space<semaphore_mem>>) src(%arg7 : memref<400x128xf32, #tpu.memory_space<vmem>>) dst(%dma_wait3A_320 : memref<400x128xf32, #tpu.memory_space<hbm>>)
    return
  }
}

module attributes {stable_mosaic.version = 14 : i64} {
  func.func @_extract_body(%arg0: i32, %arg1: memref<2048x128xf32, #tpu.memory_space<vmem>>, %arg2: memref<2048xi32, #tpu.memory_space<vmem>>, %arg3: memref<1x16xf32, #tpu.memory_space<vmem>>, %arg4: memref<16x2048xf32, #tpu.memory_space<vmem>>, %arg5: memref<16x2048xf32, #tpu.memory_space<vmem>>) attributes {dimension_semantics = [#tpu.dimension_semantics<arbitrary>], iteration_bounds = array<i64: 100>, scalar_prefetch = 0 : i64, scratch_operands = 0 : i64, tpu.core_type = #tpu.core_type<tc>, window_params = [{transform_indices = @transform_0, window_bounds = array<i64: 2048, 128>}, {transform_indices = @transform_1, window_bounds = array<i64: 2048>}, {pipeline_mode = #tpu.pipeline_mode<synchronous>, transform_indices = @transform_2, window_bounds = array<i64: 1, 16>}, {transform_indices = @transform_3, window_bounds = array<i64: 16, 2048>}, {transform_indices = @transform_4, window_bounds = array<i64: 16, 2048>}]} {
    %get3A = arith.constant 0 : index
    %get3A_0 = arith.constant 0 : index
    %get3A_1 = vector.load %arg1[%get3A, %get3A_0] : memref<2048x128xf32, #tpu.memory_space<vmem>>, vector<2048x128xf32>
    %reshape3A = vector.shape_cast %get3A_1 : vector<2048x128xf32> to vector<2048x8x16xf32>
    %get3A_2 = arith.constant 0 : index
    %get3A_3 = vector.load %arg2[%get3A_2] : memref<2048xi32, #tpu.memory_space<vmem>>, vector<2048xi32>
    %iota3A = tpu.iota {dimensions = array<i32: 1>} : vector<2048x8xi32>
    %broadcast_in_dim3A = vector.shape_cast %get3A_3 : vector<2048xi32> to vector<2048x1xi32>
    %eq3A = vector.broadcast %broadcast_in_dim3A : vector<2048x1xi32> to vector<2048x8xi32>
    %eq3A_4 = arith.cmpi eq, %iota3A, %eq3A : vector<2048x8xi32>
    %convert_element_type3A = arith.extui %eq3A_4 : vector<2048x8xi1> to vector<2048x8xi32>
    %convert_element_type3A_5 = arith.sitofp %convert_element_type3A : vector<2048x8xi32> to vector<2048x8xf32>
    %broadcast_in_dim3A_6 = vector.shape_cast %convert_element_type3A_5 : vector<2048x8xf32> to vector<2048x8x1xf32>
    %mul3A = vector.broadcast %broadcast_in_dim3A_6 : vector<2048x8x1xf32> to vector<2048x8x16xf32>
    %mul3A_7 = arith.mulf %reshape3A, %mul3A : vector<2048x8x16xf32>
    %reduce_sum3A = arith.constant dense<0.000000e+00> : vector<2048x16xf32>
    %reduce_sum3A_8 = vector.multi_reduction <add>, %mul3A_7, %reduce_sum3A [1] : vector<2048x8x16xf32> to vector<2048x16xf32>
    %transpose3A = tpu.transpose %reduce_sum3A_8, [1, 0] : vector<2048x16xf32> -> vector<16x2048xf32>
    %swap3A = arith.constant 0 : index
    %swap3A_9 = arith.constant 0 : index
    %swap3A_10 = vector.load %arg4[%swap3A, %swap3A_9] : memref<16x2048xf32, #tpu.memory_space<vmem>>, vector<16x2048xf32>
    tpu.vector_store %arg4[%swap3A, %swap3A_9], %transpose3A {strides = array<i32>} : memref<16x2048xf32, #tpu.memory_space<vmem>>, vector<16x2048xf32>,
    %get3A_11 = arith.constant 0 : index
    %get3A_12 = arith.constant 0 : index
    %get3A_13 = vector.load %arg3[%get3A_11, %get3A_12] : memref<1x16xf32, #tpu.memory_space<vmem>>, vector<1x16xf32>
    %get3A_14 = vector.shape_cast %get3A_13 : vector<1x16xf32> to vector<16xf32>
    %broadcast_in_dim3A_15 = vector.shape_cast %get3A_14 : vector<16xf32> to vector<16x1xf32>
    %broadcast_in_dim3A_16 = vector.shape_cast %broadcast_in_dim3A_15 : vector<16x1xf32> to vector<16x1xf32>
    %broadcast_in_dim3A_17 = vector.broadcast %broadcast_in_dim3A_16 : vector<16x1xf32> to vector<16x2048xf32>
    %swap3A_18 = arith.constant 0 : index
    %swap3A_19 = arith.constant 0 : index
    %swap3A_20 = vector.load %arg5[%swap3A_18, %swap3A_19] : memref<16x2048xf32, #tpu.memory_space<vmem>>, vector<16x2048xf32>
    tpu.vector_store %arg5[%swap3A_18, %swap3A_19], %broadcast_in_dim3A_17 {strides = array<i32>} : memref<16x2048xf32, #tpu.memory_space<vmem>>, vector<16x2048xf32>,
    return
  }
  func.func @transform_0(%arg0: i32) -> (i32, i32) {
    %c0_i32 = arith.constant 0 : i32
    %c0_i32_0 = arith.constant 0 : i32
    return %arg0, %c0_i32 : i32, i32
  }
  func.func @transform_1(%arg0: i32) -> i32 {
    %c0_i32 = arith.constant 0 : i32
    return %arg0 : i32
  }
  func.func @transform_2(%arg0: i32) -> (i32, i32) {
    %c0_i32 = arith.constant 0 : i32
    %c0_i32_0 = arith.constant 0 : i32
    %c0_i32_1 = arith.constant 0 : i32
    return %c0_i32, %c0_i32_0 : i32, i32
  }
  func.func @transform_3(%arg0: i32) -> (i32, i32) {
    %c0_i32 = arith.constant 0 : i32
    %c0_i32_0 = arith.constant 0 : i32
    return %c0_i32, %arg0 : i32, i32
  }
  func.func @transform_4(%arg0: i32) -> (i32, i32) {
    %c0_i32 = arith.constant 0 : i32
    %c0_i32_0 = arith.constant 0 : i32
    return %c0_i32, %arg0 : i32, i32
  }
}

</mosaic_0001>

<sc_bundles>
// kernel: kernel.4.cloned.1.call-start
scs
__scs_entry_jumppad:
0x0: {  	(pc) =	sbr.rel $0x88, $3  }
0x1: {  	(tag) =	ssettag $0x0;
	lr =	simm.s32 $0x1  }
0x2: {  	[smem:$0x3F9E] =	sst lr;
	_ =	strace $0xD0000000  }
0x3: {  	_ = 	snop  }
0x4: {  	_ = 	snop  }
0x5: {  	_ = 	snop  }
0x6: {  	_ = 	snop  }
0x7: {  	_ = 	snop  }
__scs_overlays_trampoline_lowered:
0x8: {  	[smem:$0x3FAD] =	sst s0  }
0x9: {  	[smem:$0x3FAE] =	sst s1  }
0xa: {  	[smem:$0x3FAF] =	sst s2  }
0xb: {  	[smem:$0x3FB0] =	sst s3  }
0xc: {  	[smem:$0x3FB1] =	sst s4  }
0xd: {  	[smem:$0x3FB2] =	sst s5  }
0xe: {  	[smem:$0x3FB3] =	sst s6  }
0xf: {  	[smem:$0x3FB4] =	sst s7  }
0x10: {  	[smem:$0x3FB5] =	sst s8  }
0x11: {  	[smem:$0x3FB6] =	sst s9;
	s0 =	simm.s32 @!p0 $0x0  }
0x12: {  	s1 =	sld [smem:$0x3F9C];
	s0 =	simm.s32 @p0 $0x1  }
0x13: {  	[smem:$0x3FB7] =	sst s0;
	s0 =	simm.s32 @!p1 $0x0  }
0x14: {  	s2 =	sld [smem:$0x3F9B];
	s0 =	simm.s32 @p1 $0x1  }
0x15: {  	[smem:$0x3FB8] =	sst s0;
	s0 =	simm.s32 @!p2 $0x0  }
0x16: {  	s3 =	sld [smem:$0x3FDB];
	s0 =	simm.s32 @p2 $0x1  }
0x17: {  	s4 =	simm.s32 $0x1BF5;
	[smem:$0x3FBA] =	sst s0  }
0x18: {  	s0 =	sld [smem:$0x3F9D];
	_ =	swait.ge [sflag:s4], $0x0  }
0x19: {  	s7 =	sld [smem:$0x3F9E]  }
0x1a: {  	s8 =	sadd.s32 $0xFFFFE003, lr  }
0x1b: {  	s9 =	sadd.s32 $0xFFFFFEF7, lr;
	s5 =	simm.s32 $0xFFFFFFFF;
	p2 =	slt.u32 s8, $0xFFFFF086  }
0x1c: {  	p1 =	slt.u32 s9, $0xF7A;
	s5 =	simm.s32 @!p2 $0x0  }
0x1d: {  	s5 =	simm.s32 @p1 $0x1;
	p0 =	seq.s32 s7, s2  }
0x1e: {  	s7 =	smul.u32 @!p0 $0xF7A, s2;
	p2 =	seq.s32 @!p0 s5, $0x0  }
0x1f: {  	s9 =	smul.u32 $0xF7A, s1;
	s8 =	simm.s32 @!p0 $0x1BF5;
	p2 =	por !p2, p0  }
0x20: {  	[sflag:s8] =	ssyncset.s32 @!p0 $0xFFFFF086;
	s6 =	sadd.s32 @!p0 s3, s7;
	s7 =	simm.s32 @!p0 $0x108  }
0x21: {  	s3 =	sadd.s32 s3, s9;
	s6 =	sadd.s32 @!p0 $0x88, s6;
	s7 =	simm.s32 @p2 $0x1082  }
0x22: {  	[simem:s7], [sflag:s8] =	dma.local @!p0 [hbm:s6], $0xF7A  }
0x23: {  	s9 =	sor.u32 $0xD0000000, s2;
	s6 =	simm.s32 $0x108;
	_ =	swait.ge @!p0 [sflag:s8], $0x0  }
0x24: {  	s3 =	sadd.s32 $0x88, s3;
	s6 =	simm.s32 @!p1 $0x1082;
	[sflag:s4] =	ssyncset.s32 $0xFFFFF086  }
0x25: {  	[simem:s6], [sflag:s4] =	dma.local [hbm:s3], $0xF7A  }
0x26: {  	[smem:$0x3F9E] =	sst s1;
	(tag) =	ssettag s2;
	_ =	strace s9  }
0x27: {  	s1 =	sld [smem:$0x3FAE]  }
0x28: {  	s2 =	sld [smem:$0x3FAF]  }
0x29: {  	s4 =	sld [smem:$0x3FB1]  }
0x2a: {  	p0 =	seq.s32 s5, $0x0;
	s5 =	sld [smem:$0x3FB2]  }
0x2b: {  	s6 =	sld [smem:$0x3FB3]  }
0x2c: {  	s7 =	sld [smem:$0x3FB4]  }
0x2d: {  	s3 =	simm.s32 $0x108;
	s8 =	sld [smem:$0x3FB5]  }
0x2e: {  	s3 =	simm.s32 @!p0 $0x1082;
	s9 =	sld [smem:$0x3FB6]  }
0x2f: {  	lr =	sadd.s32 s0, s3;
	s0 =	sld [smem:$0x3FAD]  }
0x30: {  	s3 =	sld [smem:$0x3FB0]  }
0x31: {  	[smem:$0x3FB9] =	sst s10  }
0x32: {  	s10 =	sld [smem:$0x3FB7];
	_ =	sdelay $0x3  }
0x33: {  	p0 =	seq.s32 s10, $0x1;
	s10 =	sld [smem:$0x3FB9];
	_ =	sdelay $0x3  }
0x34: {  	[smem:$0x3FB9] =	sst s10  }
0x35: {  	s10 =	sld [smem:$0x3FB8];
	_ =	sdelay $0x3  }
0x36: {  	p1 =	seq.s32 s10, $0x1;
	s10 =	sld [smem:$0x3FB9];
	_ =	sdelay $0x3  }
0x37: {  	[smem:$0x3FB9] =	sst s10  }
0x38: {  	s10 =	sld [smem:$0x3FBA]  }
0x39: {  	_ = 	snop;
	(pc) =	sbr.ind lr, $3  }
0x3a: {  	_ = 	snop  }
0x3b: {  	_ = 	snop  }
0x3c: {  	p2 =	seq.s32 s10, $0x1;
	s10 =	sld [smem:$0x3FB9]  }
0x3d: {  	_ =	shalt  }
0x3e: {  	_ =	shalt  }
0x3f: {  	_ =	shalt  }
0x40: {  	_ =	shalt  }
0x41: {  	_ =	shalt  }
0x42: {  	_ =	shalt  }
0x43: {  	_ =	shalt  }
0x44: {  	_ =	shalt  }
0x45: {  	_ =	shalt  }
0x46: {  	_ =	shalt  }
0x47: {  	_ =	shalt  }
0x48: {  	_ =	shalt  }
0x49: {  	_ =	shalt  }
0x4a: {  	_ =	shalt  }
0x4b: {  	_ =	shalt  }
0x4c: {  	_ =	shalt  }
0x4d: {  	_ =	shalt  }
0x4e: {  	_ =	shalt  }
0x4f: {  	_ =	shalt  }
0x50: {  	_ =	shalt  }
0x51: {  	_ =	shalt  }
0x52: {  	_ =	shalt  }
0x53: {  	_ =	shalt  }
0x54: {  	_ =	shalt  }
0x55: {  	_ =	shalt  }
0x56: {  	_ =	shalt  }
0x57: {  	_ =	shalt  }
0x58: {  	_ =	shalt  }
0x59: {  	_ =	shalt  }
0x5a: {  	_ =	shalt  }
0x5b: {  	_ =	shalt  }
0x5c: {  	_ =	shalt  }
0x5d: {  	_ =	shalt  }
0x5e: {  	_ =	shalt  }
0x5f: {  	_ =	shalt  }
0x60: {  	_ =	shalt  }
0x61: {  	_ =	shalt  }
0x62: {  	_ =	shalt  }
0x63: {  	_ =	shalt  }
0x64: {  	_ =	shalt  }
0x65: {  	_ =	shalt  }
0x66: {  	_ =	shalt  }
0x67: {  	_ =	shalt  }
0x68: {  	_ =	shalt  }
0x69: {  	_ =	shalt  }
0x6a: {  	_ =	shalt  }
0x6b: {  	_ =	shalt  }
0x6c: {  	_ =	shalt  }
0x6d: {  	_ =	shalt  }
0x6e: {  	_ =	shalt  }
0x6f: {  	_ =	shalt  }
0x70: {  	_ =	shalt  }
0x71: {  	_ =	shalt  }
0x72: {  	_ =	shalt  }
0x73: {  	_ =	shalt  }
0x74: {  	_ =	shalt  }
0x75: {  	_ =	shalt  }
0x76: {  	_ =	shalt  }
0x77: {  	_ =	shalt  }
0x78: {  	_ =	shalt  }
0x79: {  	_ =	shalt  }
0x7a: {  	_ =	shalt  }
0x7b: {  	_ =	shalt  }
0x7c: {  	_ =	shalt  }
0x7d: {  	_ =	shalt  }
0x7e: {  	_ =	shalt  }
0x7f: {  	_ =	shalt  }
0x80: {  	_ =	shalt  }
0x81: {  	_ =	shalt  }
0x82: {  	_ =	shalt  }
0x83: {  	_ =	shalt  }
0x84: {  	_ =	shalt  }
0x85: {  	_ =	shalt  }
0x86: {  	_ =	shalt  }
0x87: {  	_ =	shalt  }
.Lfunc_end0:
.L_simem_size_0:
called_computation_lowered:
.L_overlay_start_0:
0x88: {  	s2 =	sld [smem:$0x3FD9]  }
0x89: {  	s3 =	sld [smem:$0x3FFE];
	_ =	sdelay $0x1  }
0x8a: {  	s1 =	srdreg.scid  }
0x8b: {  	s0 =	sand.u32 $0x1, s1  }
0x8c: {  	s14 =	sshll.u32 s0, $0xA;
	s2 =	sadd.s32 s3, s2  }
0x8d: {  	s2 =	sadd.s32 s2, s14  }
0x8e: {  	[smem:$0x3FC5] =	sst s2  }
0x8f: {  	_ = 	snop  }
0x90: {  	s2 =	sld [smem:$0x3FD0];
	_ =	sdelay $0x2  }
0x91: {  	s15 =	simm.s32 $0xA;
	s4 =	simm.s32 $0x10  }
0x92: {  	[smem:s4], [sflag:s15] =	dma.local [hbm:s2], $0x1  }
0x93: {  	_ =	swait.eq [sflag:s15], $0x1  }
0x94: {  	[sflag:s15] =	ssyncset.done $0x0  }
0x95: {  	[sflag:s15] =	ssyncadd.s32 $0xFFFFFFFF  }
0x96: {  	s16 =	sld [smem:$0x10];
	(tm) =	ssettm $0x1  }
0x97: {  	s17 =	sld [smem:$0x3FFB];
	_ =	sdelay $0x3  }
0x98: {  	_ =	strace s17  }
0x99: {  	s3 =	sld [smem:$0x3FFC];
	_ =	sdelay $0x3  }
0x9a: {  	_ =	strace s3  }
0x9b: {  	s3 =	sld [smem:$0x3FFD];
	_ =	sdelay $0x3  }
0x9c: {  	_ =	strace s3  }
0x9d: {  	_ =	strace $0x8FFFFFFF  }
0x9e: {  	s18 =	sld [smem:$0x3FDB];
	_ =	sdelay $0x1  }
0x9f: {  	s19 =	simm.s32 $_scs_section_size  }
0xa0: {  	s5 =	simm.s32 $_size__tile_overlayer_lowered;
	s6 =	simm.s32 $_tile_overlayer_lowered  }
0xa1: {  	s22 =	simm.s32 $0x1BFF;
	s21 =	sshll.u32 s6, $0x1;
	s3 =	sadd.s32 s19, s18  }
0xa2: {  	s7 =	simm.s32 $0x0;
	s20 =	sshll.u32 s5, $0x1;
	s5 =	sadd.s32 s21, s3  }
0xa3: {  	[timem:s7], [sflag:s22] =	dma.local [hbm:s5], s20  }
0xa4: {  	_ =	swait.ge [sflag:s22], s20  }
0xa5: {  	s4 =	ssub.s32 $0x0, s20;
	[sflag:s22] =	ssyncset.done $0x0  }
0xa6: {  	[sflag:s22] =	ssyncadd.s32 s4;
	_ =	sdelay $0x1  }
0xa7: {  	s23 =	simm.s32 $0x1B8B  }
0xa8: {  	_ =	swait.ge [sflag:s23], $0x1  }
0xa9: {  	[sflag:s23] =	ssyncset.done $0x0  }
0xaa: {  	s25 =	simm.s32 $0x1B8E;
	s24 =	sld [smem:$0x3FFE];
	[sflag:s23] =	ssyncadd.s32 $0xFFFFFFFF  }
0xab: {  	s26 =	simm.s32 $execute0_lowered;
	[smem:$0x3FD2] =	sst s25  }
0xac: {  	s5 =	sshll.u32 s26, $0x1;
	_ =	strace $0x80000046;
	[dreg:$0x1] =	wrdreg $0xFFFFFFFF  }
0xad: {  	s28 =	simm.s32 $_size_execute0_lowered;
	s3 =	sadd.s32 s3, s5;
	[dreg:$0x0] =	wrdreg $0x0  }
0xae: {  	s5 =	sshll.u32 s28, $0x1;
	[dreg:$0x2] =	wrdreg s3  }
0xaf: {  	[dreg:$0x3] =	wrdreg s5  }
0xb0: {  	[dreg:$0x4] =	wrdreg $0xC0  }
0xb1: {  	_ =	task [dreg:s7], $0x5FFFF  }
0xb2: {  	[dreg:$0x1] =	wrdreg $0xFFFFFFFF  }
0xb3: {  	[dreg:$0x0] =	wrdreg $0x60  }
0xb4: {  	[dreg:$0x2] =	wrdreg s24  }
0xb5: {  	[dreg:$0x3] =	wrdreg s16  }
0xb6: {  	[dreg:$0x4] =	wrdreg $0x9  }
0xb7: {  	_ =	task.clear_ibuf [dreg:s7], $0x5FFFF;
	_ =	strace $0x90000046  }
0xb8: {  	s29 =	simm.s32 $0x9;
	_ =	strace $0x80000048  }
0xb9: {  	_ =	swait.ge [sflag:s29], $0x1  }
0xba: {  	[sflag:s29] =	ssyncadd.s32 $0xFFFFFFFF  }
0xbb: {  	_ =	strace $0x90000048  }
0xbc: {  	_ =	sfence  }
0xbd: {  	s30 =	sld [smem:$0x0];
	_ =	sdelay $0x2  }
0xbe: {  	s31 =	sshll.u32 s1, $0xD;
	s1 =	sshrl.u32 s1, $0x2  }
0xbf: {  	s3 =	sand.u32 $0x4000, s31;
	s1 =	sadd.s32 s1, s30  }
0xc0: {  	s0 =	sor.u32 s3, s0;
	s1 =	sshll.u32 s1, $0x11  }
0xc1: {  	s0 =	sor.u32 s1, s0  }
0xc2: {  	s0 =	sadd.s32 $0x8F2B, s0  }
0xc3: {  	[sflag:s0] =	ssyncadd.remote.s32 $0x1  }
0xc4: {  	_ =	sfence.sel $0xFFFF  }
0xc5: {  	[dreg:$0x0] =	wrdreg $0xFFFFFFFF;
	(pc) =	sbr.abs _section_cstart, $3  }
0xc6: {  	[dreg:$0x1] =	wrdreg $0xFFFFFFFF  }
0xc7: {  	_ =	task.clear_ibuf [dreg:s7], $0x2FFFF;
	_ =	strace $0x9FFFFFFF  }
0xc8: {  	(tm) =	ssettm $0x7FFFFFFF  }
0xc9: {  	_ =	shalt  }
tec
execute0_lowered:
.L_overlay_start_1:
0x0: {  	(tag) =	ssettag $0x1  }
0x1: {  	s1 =	srdreg.scid;
	s0 =	stileid.u32  }
0x2: {  	s1 =	sand.u32 $0x1, s1;
	s2 =	sshll.u32 s0, $0x1  }
0x3: {  	s5 =	sor.u32 s1, s2  }
0x4: {  	s4 =	rddreg [dreg:$0x0];
	s6 =	smul.u32 $0x320, s5  }
0x5: {  	s3 =	rddreg [dreg:$0x1];
	s2 =	simm.s32 $0x0;
	s7 =	smul.u32 $0xC8000, s5  }
0x6: {  	[smem:$0x7FF] =	sst s2;
	s5 =	smul.u32 $0x19000, s5  }
0x7: {  	s8 =	sadd.s32 $0x1E00, s4;
	_ =	strace $0x80000047;
	s3 =	sadd.s32 s3, s6  }
0x8: {  	s14 =	sshrl.u32 s7, $0x3;
	s15 =	sadd.s32 s8, s5;
	[dreg:$0x3] =	wrdreg s3  }
0x9: {  	s31 =	sadd.s32 s8, s14;
	[dreg:$0x4] =	wrdreg s15  }
0xa: {  	s16 =	sadd.s32 $0x1900, s31;
	s24 =	rddreg [dreg:$0x3]  }
0xb: {  	s17 =	sadd.s32 $0x3200, s31;
	[dreg:$0x5] =	wrdreg s16  }
0xc: {  	s18 =	sadd.s32 $0x4B00, s31;
	[dreg:$0x6] =	wrdreg s17  }
0xd: {  	s19 =	sadd.s32 $0x6400, s31;
	[dreg:$0x7] =	wrdreg s18  }
0xe: {  	s20 =	sadd.s32 $0x7D00, s31;
	[dreg:$0x8] =	wrdreg s19  }
0xf: {  	s21 =	sadd.s32 $0x9600, s31;
	[dreg:$0x9] =	wrdreg s20  }
0x10: {  	s22 =	sadd.s32 $0xAF00, s31;
	[dreg:$0xa] =	wrdreg s21  }
0x11: {  	s23 =	sadd.s32 $0xC800, s31;
	[dreg:$0xb] =	wrdreg s22  }
0x12: {  	s25 =	sadd.s32 $0xE100, s31;
	[dreg:$0xc] =	wrdreg s23  }
0x13: {  	s3 =	simm.s32 $0x4;
	[dreg:$0xd] =	wrdreg s25  }
0x14: {  	[tilespmem:s2], [sflag:$0x4] =	stream.linear.gather [hbm4b:s24+s2], $0x1900, $0x38;
	[tilespmem:$0x1A900] =	vst v63  }
0x15: {  	_ =	swait.ge [sflag:s3], $0x1900  }
0x16: {  	s4 =	sadd.s32 $0xF44200, s4;
	s5 =	simm.s32 $0x190;
	[sflag:s3] =	ssyncset.done $0x0  }
0x17: {  	s6 =	simm.s32 $0x1900;
	s7 =	simm.s32 $0x1;
	[sflag:s3] =	ssyncadd.s32 $0xFFFFE700  }
0x18: {  	[tilespmem:s6], [sflag:$0x1] =	stream.indirect.gather [hbm4b:s4+s5], $0x80, s2, s5, $0xb8;
	[tilespmem:$0x1A900] =	vst v63  }
0x19: {  	_ =	swait.ge [sflag:s7], $0xC800  }
0x1a: {  	[sflag:s7] =	ssyncset.done $0x0  }
0x1b: {  	s26 =	rddreg [dreg:$0x4];
	[sflag:s7] =	ssyncadd.s32 $0xFFFF3800  }
0x1c: {  	[hbm4b:s26+s2] =	stream.linear.scatter [tilespmem:s6], [sflag:$0x2], $0xC800, $0x38;
	[tilespmem:$0x1A900] =	vst v63  }
0x1d: {  	s8 =	simm.s32 $0xE100  }
0x1e: {  	[tilespmem:s8], [sflag:$0x1] =	stream.indirect.gather [hbm4b:s4+s5], $0x80, s5, s5, $0xb8;
	[tilespmem:$0x1A900] =	vst v63  }
0x1f: {  	_ =	swait.ge [sflag:s7], $0xC800  }
0x20: {  	[sflag:s7] =	ssyncset.done $0x0  }
0x21: {  	s9 =	simm.s32 $0x2;
	s10 =	rddreg [dreg:$0x5];
	[sflag:s7] =	ssyncadd.s32 $0xFFFF3800  }
0x22: {  	[hbm4b:s10+s2] =	stream.linear.scatter [tilespmem:s8], [sflag:$0x3], $0xC800, $0x38;
	[tilespmem:$0x1A900] =	vst v63  }
0x23: {  	_ =	swait.ge [sflag:s9], $0xC800  }
0x24: {  	[sflag:s9] =	ssyncset.done $0x0  }
0x25: {  	s10 =	simm.s32 $0x320;
	[sflag:s9] =	ssyncadd.s32 $0xFFFF3800  }
0x26: {  	[tilespmem:s6], [sflag:$0x1] =	stream.indirect.gather [hbm4b:s4+s5], $0x80, s10, s5, $0xb8;
	[tilespmem:$0x1A900] =	vst v63  }
0x27: {  	_ =	swait.ge [sflag:s7], $0xC800  }
0x28: {  	[sflag:s7] =	ssyncset.done $0x0  }
0x29: {  	s11 =	simm.s32 $0x3;
	s12 =	rddreg [dreg:$0x6];
	[sflag:s7] =	ssyncadd.s32 $0xFFFF3800  }
0x2a: {  	[hbm4b:s12+s2] =	stream.linear.scatter [tilespmem:s6], [sflag:$0x2], $0xC800, $0x38;
	[tilespmem:$0x1A900] =	vst v63  }
0x2b: {  	_ =	swait.ge [sflag:s11], $0xC800  }
0x2c: {  	[sflag:s11] =	ssyncset.done $0x0  }
0x2d: {  	s12 =	simm.s32 $0x4B0;
	[sflag:s11] =	ssyncadd.s32 $0xFFFF3800  }
0x2e: {  	[tilespmem:s8], [sflag:$0x1] =	stream.indirect.gather [hbm4b:s4+s5], $0x80, s12, s5, $0xb8;
	[tilespmem:$0x1A900] =	vst v63  }
0x2f: {  	_ =	swait.ge [sflag:s7], $0xC800  }
0x30: {  	[sflag:s7] =	ssyncset.done $0x0  }
0x31: {  	s13 =	rddreg [dreg:$0x7];
	[sflag:s7] =	ssyncadd.s32 $0xFFFF3800  }
0x32: {  	[hbm4b:s13+s2] =	stream.linear.scatter [tilespmem:s8], [sflag:$0x3], $0xC800, $0x38;
	[tilespmem:$0x1A900] =	vst v63  }
0x33: {  	_ =	swait.ge [sflag:s9], $0xC800  }
0x34: {  	[sflag:s9] =	ssyncset.done $0x0  }
0x35: {  	s13 =	simm.s32 $0x640;
	[sflag:s9] =	ssyncadd.s32 $0xFFFF3800  }
0x36: {  	[tilespmem:s6], [sflag:$0x1] =	stream.indirect.gather [hbm4b:s4+s5], $0x80, s13, s5, $0xb8;
	[tilespmem:$0x1A900] =	vst v63  }
0x37: {  	_ =	swait.ge [sflag:s7], $0xC800  }
0x38: {  	[sflag:s7] =	ssyncset.done $0x0  }
0x39: {  	s14 =	rddreg [dreg:$0x8];
	[sflag:s7] =	ssyncadd.s32 $0xFFFF3800  }
0x3a: {  	[hbm4b:s14+s2] =	stream.linear.scatter [tilespmem:s6], [sflag:$0x2], $0xC800, $0x38;
	[tilespmem:$0x1A900] =	vst v63  }
0x3b: {  	_ =	swait.ge [sflag:s11], $0xC800  }
0x3c: {  	[sflag:s11] =	ssyncset.done $0x0  }
0x3d: {  	s14 =	simm.s32 $0x7D0;
	[sflag:s11] =	ssyncadd.s32 $0xFFFF3800  }
0x3e: {  	[tilespmem:s8], [sflag:$0x1] =	stream.indirect.gather [hbm4b:s4+s5], $0x80, s14, s5, $0xb8;
	[tilespmem:$0x1A900] =	vst v63  }
0x3f: {  	_ =	swait.ge [sflag:s7], $0xC800  }
0x40: {  	[sflag:s7] =	ssyncset.done $0x0  }
0x41: {  	s15 =	rddreg [dreg:$0x9];
	[sflag:s7] =	ssyncadd.s32 $0xFFFF3800  }
0x42: {  	[hbm4b:s15+s2] =	stream.linear.scatter [tilespmem:s8], [sflag:$0x3], $0xC800, $0x38;
	[tilespmem:$0x1A900] =	vst v63  }
0x43: {  	_ =	swait.ge [sflag:s9], $0xC800  }
0x44: {  	[sflag:s9] =	ssyncset.done $0x0  }
0x45: {  	s15 =	simm.s32 $0x960;
	[sflag:s9] =	ssyncadd.s32 $0xFFFF3800  }
0x46: {  	[tilespmem:s6], [sflag:$0x1] =	stream.indirect.gather [hbm4b:s4+s5], $0x80, s15, s5, $0xb8;
	[tilespmem:$0x1A900] =	vst v63  }
0x47: {  	_ =	swait.ge [sflag:s7], $0xC800  }
0x48: {  	[sflag:s7] =	ssyncset.done $0x0  }
0x49: {  	s16 =	rddreg [dreg:$0xa];
	[sflag:s7] =	ssyncadd.s32 $0xFFFF3800  }
0x4a: {  	[hbm4b:s16+s2] =	stream.linear.scatter [tilespmem:s6], [sflag:$0x2], $0xC800, $0x38;
	[tilespmem:$0x1A900] =	vst v63  }
0x4b: {  	_ =	swait.ge [sflag:s11], $0xC800  }
0x4c: {  	[sflag:s11] =	ssyncset.done $0x0  }
0x4d: {  	s16 =	simm.s32 $0xAF0;
	[sflag:s11] =	ssyncadd.s32 $0xFFFF3800  }
0x4e: {  	[tilespmem:s8], [sflag:$0x1] =	stream.indirect.gather [hbm4b:s4+s5], $0x80, s16, s5, $0xb8;
	[tilespmem:$0x1A900] =	vst v63  }
0x4f: {  	_ =	swait.ge [sflag:s7], $0xC800  }
0x50: {  	[sflag:s7] =	ssyncset.done $0x0  }
0x51: {  	s17 =	rddreg [dreg:$0xb];
	[sflag:s7] =	ssyncadd.s32 $0xFFFF3800  }
0x52: {  	[hbm4b:s17+s2] =	stream.linear.scatter [tilespmem:s8], [sflag:$0x3], $0xC800, $0x38;
	[tilespmem:$0x1A900] =	vst v63  }
0x53: {  	_ =	swait.ge [sflag:s9], $0xC800  }
0x54: {  	[sflag:s9] =	ssyncset.done $0x0  }
0x55: {  	s17 =	simm.s32 $0xC80;
	[sflag:s9] =	ssyncadd.s32 $0xFFFF3800  }
0x56: {  	[tilespmem:s6], [sflag:$0x1] =	stream.indirect.gather [hbm4b:s4+s5], $0x80, s17, s5, $0xb8;
	[tilespmem:$0x1A900] =	vst v63  }
0x57: {  	_ =	swait.ge [sflag:s7], $0xC800  }
0x58: {  	[sflag:s7] =	ssyncset.done $0x0  }
0x59: {  	s18 =	rddreg [dreg:$0xc];
	[sflag:s7] =	ssyncadd.s32 $0xFFFF3800  }
0x5a: {  	[hbm4b:s18+s2] =	stream.linear.scatter [tilespmem:s6], [sflag:$0x2], $0xC800, $0x38;
	[tilespmem:$0x1A900] =	vst v63  }
0x5b: {  	_ =	swait.ge [sflag:s11], $0xC800  }
0x5c: {  	[sflag:s11] =	ssyncset.done $0x0  }
0x5d: {  	s18 =	simm.s32 $0xE10;
	[sflag:s11] =	ssyncadd.s32 $0xFFFF3800  }
0x5e: {  	[tilespmem:s8], [sflag:$0x1] =	stream.indirect.gather [hbm4b:s4+s5], $0x80, s18, s5, $0xb8;
	[tilespmem:$0x1A900] =	vst v63  }
0x5f: {  	_ =	swait.ge [sflag:s7], $0xC800  }
0x60: {  	[sflag:s7] =	ssyncset.done $0x0  }
0x61: {  	s19 =	rddreg [dreg:$0xd];
	[sflag:s7] =	ssyncadd.s32 $0xFFFF3800  }
0x62: {  	[hbm4b:s19+s2] =	stream.linear.scatter [tilespmem:s8], [sflag:$0x3], $0xC800, $0x38;
	[tilespmem:$0x1A900] =	vst v63  }
0x63: {  	_ =	swait.ge [sflag:s9], $0xC800  }
0x64: {  	[sflag:s9] =	ssyncset.done $0x0  }
0x65: {  	s19 =	simm.s32 $0xFA0;
	[sflag:s9] =	ssyncadd.s32 $0xFFFF3800  }
0x66: {  	[tilespmem:s6], [sflag:$0x1] =	stream.indirect.gather [hbm4b:s4+s5], $0x80, s19, s5, $0xb8;
	[tilespmem:$0x1A900] =	vst v63  }
0x67: {  	_ =	swait.ge [sflag:s7], $0xC800  }
0x68: {  	[sflag:s7] =	ssyncset.done $0x0  }
0x69: {  	s20 =	sadd.s32 $0xFA00, s31;
	[sflag:s7] =	ssyncadd.s32 $0xFFFF3800  }
0x6a: {  	[hbm4b:s20+s2] =	stream.linear.scatter [tilespmem:s6], [sflag:$0x2], $0xC800, $0x38;
	[tilespmem:$0x1A900] =	vst v63  }
0x6b: {  	_ =	swait.ge [sflag:s11], $0xC800  }
0x6c: {  	[sflag:s11] =	ssyncset.done $0x0  }
0x6d: {  	s21 =	simm.s32 $0x1130;
	[sflag:s11] =	ssyncadd.s32 $0xFFFF3800  }
0x6e: {  	[tilespmem:s8], [sflag:$0x1] =	stream.indirect.gather [hbm4b:s4+s5], $0x80, s21, s5, $0xb8;
	[tilespmem:$0x1A900] =	vst v63  }
0x6f: {  	_ =	swait.ge [sflag:s7], $0xC800  }
0x70: {  	[sflag:s7] =	ssyncset.done $0x0  }
0x71: {  	s22 =	sadd.s32 $0x11300, s31;
	[sflag:s7] =	ssyncadd.s32 $0xFFFF3800  }
0x72: {  	[hbm4b:s22+s2] =	stream.linear.scatter [tilespmem:s8], [sflag:$0x3], $0xC800, $0x38;
	[tilespmem:$0x1A900] =	vst v63  }
0x73: {  	_ =	swait.ge [sflag:s9], $0xC800  }
0x74: {  	[sflag:s9] =	ssyncset.done $0x0  }
0x75: {  	s23 =	simm.s32 $0x12C0;
	[sflag:s9] =	ssyncadd.s32 $0xFFFF3800  }
0x76: {  	[tilespmem:s6], [sflag:$0x1] =	stream.indirect.gather [hbm4b:s4+s5], $0x80, s23, s5, $0xb8;
	[tilespmem:$0x1A900] =	vst v63  }
0x77: {  	_ =	swait.ge [sflag:s7], $0xC800  }
0x78: {  	[sflag:s7] =	ssyncset.done $0x0  }
0x79: {  	s24 =	sadd.s32 $0x12C00, s31;
	[sflag:s7] =	ssyncadd.s32 $0xFFFF3800  }
0x7a: {  	[hbm4b:s24+s2] =	stream.linear.scatter [tilespmem:s6], [sflag:$0x2], $0xC800, $0x38;
	[tilespmem:$0x1A900] =	vst v63  }
0x7b: {  	_ =	swait.ge [sflag:s11], $0xC800  }
0x7c: {  	[sflag:s11] =	ssyncset.done $0x0  }
0x7d: {  	s25 =	simm.s32 $0x1450;
	[sflag:s11] =	ssyncadd.s32 $0xFFFF3800  }
0x7e: {  	[tilespmem:s8], [sflag:$0x1] =	stream.indirect.gather [hbm4b:s4+s5], $0x80, s25, s5, $0xb8;
	[tilespmem:$0x1A900] =	vst v63  }
0x7f: {  	_ =	swait.ge [sflag:s7], $0xC800  }
0x80: {  	[sflag:s7] =	ssyncset.done $0x0  }
0x81: {  	s26 =	sadd.s32 $0x14500, s31;
	[sflag:s7] =	ssyncadd.s32 $0xFFFF3800  }
0x82: {  	[hbm4b:s26+s2] =	stream.linear.scatter [tilespmem:s8], [sflag:$0x3], $0xC800, $0x38;
	[tilespmem:$0x1A900] =	vst v63  }
0x83: {  	_ =	swait.ge [sflag:s9], $0xC800  }
0x84: {  	[sflag:s9] =	ssyncset.done $0x0  }
0x85: {  	s28 =	simm.s32 $0x15E0;
	[sflag:s9] =	ssyncadd.s32 $0xFFFF3800  }
0x86: {  	[tilespmem:s6], [sflag:$0x1] =	stream.indirect.gather [hbm4b:s4+s5], $0x80, s28, s5, $0xb8;
	[tilespmem:$0x1A900] =	vst v63  }
0x87: {  	_ =	swait.ge [sflag:s7], $0xC800  }
0x88: {  	[sflag:s7] =	ssyncset.done $0x0  }
0x89: {  	s29 =	sadd.s32 $0x15E00, s31;
	[sflag:s7] =	ssyncadd.s32 $0xFFFF3800  }
0x8a: {  	[hbm4b:s29+s2] =	stream.linear.scatter [tilespmem:s6], [sflag:$0x2], $0xC800, $0x38;
	[tilespmem:$0x1A900] =	vst v63  }
0x8b: {  	_ =	swait.ge [sflag:s11], $0xC800  }
0x8c: {  	s1 =	ssub.s32 $0x2, s1;
	[sflag:s11] =	ssyncset.done $0x0  }
0x8d: {  	s30 =	simm.s32 $0x1770;
	s0 =	sshrl.u32 s1, $0x1;
	[sflag:s11] =	ssyncadd.s32 $0xFFFF3800  }
0x8e: {  	[tilespmem:s8], [sflag:$0x1] =	stream.indirect.gather [hbm4b:s4+s5], $0x80, s30, s5, $0xb8;
	[tilespmem:$0x1A900] =	vst v63  }
0x8f: {  	s0 =	ssub.s32 s1, s0;
	_ =	swait.ge [sflag:s7], $0xC800  }
0x90: {  	s0 =	smax.u32 s0, $0x1;
	[sflag:s7] =	ssyncset.done $0x0  }
0x91: {  	p0 =	sne.s32 s0, $0x1;
	s31 =	sadd.s32 $0x17700, s31;
	[sflag:s7] =	ssyncadd.s32 $0xFFFF3800  }
0x92: {  	[hbm4b:s31+s2] =	stream.linear.scatter [tilespmem:s8], [sflag:$0x3], $0xC800, $0x38;
	[tilespmem:$0x1A900] =	vst v63  }
.Ltmp0:
0x93: {  	_ =	swait.ge [sflag:s9], $0xC800;
	(pc) =	sbr.rel @!p0 .LBB2_2-.Ltmp0, $4  }
0x94: {  	[sflag:s9] =	ssyncset.done $0x0  }
0x95: {  	[sflag:s9] =	ssyncadd.s32 $0xFFFF3800  }
0x96: {  	_ =	swait.ge [sflag:s11], $0xC800  }
0x97: {  	s1 =	sadd.s32 $0xFFFFFFFF, s0;
	[sflag:s11] =	ssyncset.done $0x0  }
.LBB2_1:
0x98: {  	s0 =	rddreg [dreg:$0x3];
	[sflag:s11] =	ssyncadd.s32 $0xFFFF3800  }
0x99: {  	[tilespmem:s2], [sflag:$0x4] =	stream.linear.gather [hbm4b:s0+s2], $0x1900, $0x38;
	[tilespmem:$0x1A900] =	vst v63  }
0x9a: {  	_ =	swait.ge [sflag:s3], $0x1900  }
0x9b: {  	[sflag:s3] =	ssyncset.done $0x0  }
0x9c: {  	[sflag:s3] =	ssyncadd.s32 $0xFFFFE700  }
0x9d: {  	[tilespmem:s6], [sflag:$0x1] =	stream.indirect.gather [hbm4b:s4+s5], $0x80, s2, s5, $0xb8;
	[tilespmem:$0x1A900] =	vst v63  }
0x9e: {  	_ =	swait.ge [sflag:s7], $0xC800  }
0x9f: {  	[sflag:s7] =	ssyncset.done $0x0  }
0xa0: {  	s0 =	rddreg [dreg:$0x4];
	[sflag:s7] =	ssyncadd.s32 $0xFFFF3800  }
0xa1: {  	[hbm4b:s0+s2] =	stream.linear.scatter [tilespmem:s6], [sflag:$0x2], $0xC800, $0x38;
	[tilespmem:$0x1A900] =	vst v63  }
0xa2: {  	_ = 	snop  }
0xa3: {  	[tilespmem:s8], [sflag:$0x1] =	stream.indirect.gather [hbm4b:s4+s5], $0x80, s5, s5, $0xb8;
	[tilespmem:$0x1A900] =	vst v63  }
0xa4: {  	_ =	swait.ge [sflag:s7], $0xC800  }
0xa5: {  	[sflag:s7] =	ssyncset.done $0x0  }
0xa6: {  	s0 =	rddreg [dreg:$0x5];
	[sflag:s7] =	ssyncadd.s32 $0xFFFF3800  }
0xa7: {  	[hbm4b:s0+s2] =	stream.linear.scatter [tilespmem:s8], [sflag:$0x3], $0xC800, $0x38;
	[tilespmem:$0x1A900] =	vst v63  }
0xa8: {  	_ =	swait.ge [sflag:s9], $0xC800  }
0xa9: {  	[sflag:s9] =	ssyncset.done $0x0  }
0xaa: {  	[sflag:s9] =	ssyncadd.s32 $0xFFFF3800  }
0xab: {  	[tilespmem:s6], [sflag:$0x1] =	stream.indirect.gather [hbm4b:s4+s5], $0x80, s10, s5, $0xb8;
	[tilespmem:$0x1A900] =	vst v63  }
0xac: {  	_ =	swait.ge [sflag:s7], $0xC800  }
0xad: {  	[sflag:s7] =	ssyncset.done $0x0  }
0xae: {  	s0 =	rddreg [dreg:$0x6];
	[sflag:s7] =	ssyncadd.s32 $0xFFFF3800  }
0xaf: {  	[hbm4b:s0+s2] =	stream.linear.scatter [tilespmem:s6], [sflag:$0x2], $0xC800, $0x38;
	[tilespmem:$0x1A900] =	vst v63  }
0xb0: {  	_ =	swait.ge [sflag:s11], $0xC800  }
0xb1: {  	[sflag:s11] =	ssyncset.done $0x0  }
0xb2: {  	[sflag:s11] =	ssyncadd.s32 $0xFFFF3800  }
0xb3: {  	[tilespmem:s8], [sflag:$0x1] =	stream.indirect.gather [hbm4b:s4+s5], $0x80, s12, s5, $0xb8;
	[tilespmem:$0x1A900] =	vst v63  }
0xb4: {  	_ =	swait.ge [sflag:s7], $0xC800  }
0xb5: {  	[sflag:s7] =	ssyncset.done $0x0  }
0xb6: {  	s0 =	rddreg [dreg:$0x7];
	[sflag:s7] =	ssyncadd.s32 $0xFFFF3800  }
0xb7: {  	[hbm4b:s0+s2] =	stream.linear.scatter [tilespmem:s8], [sflag:$0x3], $0xC800, $0x38;
	[tilespmem:$0x1A900] =	vst v63  }
0xb8: {  	_ =	swait.ge [sflag:s9], $0xC800  }
0xb9: {  	[sflag:s9] =	ssyncset.done $0x0  }
0xba: {  	[sflag:s9] =	ssyncadd.s32 $0xFFFF3800  }
0xbb: {  	[tilespmem:s6], [sflag:$0x1] =	stream.indirect.gather [hbm4b:s4+s5], $0x80, s13, s5, $0xb8;
	[tilespmem:$0x1A900] =	vst v63  }
0xbc: {  	_ =	swait.ge [sflag:s7], $0xC800  }
0xbd: {  	[sflag:s7] =	ssyncset.done $0x0  }
0xbe: {  	s0 =	rddreg [dreg:$0x8];
	[sflag:s7] =	ssyncadd.s32 $0xFFFF3800  }
0xbf: {  	[hbm4b:s0+s2] =	stream.linear.scatter [tilespmem:s6], [sflag:$0x2], $0xC800, $0x38;
	[tilespmem:$0x1A900] =	vst v63  }
0xc0: {  	_ =	swait.ge [sflag:s11], $0xC800  }
0xc1: {  	[sflag:s11] =	ssyncset.done $0x0  }
0xc2: {  	[sflag:s11] =	ssyncadd.s32 $0xFFFF3800  }
0xc3: {  	[tilespmem:s8], [sflag:$0x1] =	stream.indirect.gather [hbm4b:s4+s5], $0x80, s14, s5, $0xb8;
	[tilespmem:$0x1A900] =	vst v63  }
0xc4: {  	_ =	swait.ge [sflag:s7], $0xC800  }
0xc5: {  	[sflag:s7] =	ssyncset.done $0x0  }
0xc6: {  	s0 =	rddreg [dreg:$0x9];
	[sflag:s7] =	ssyncadd.s32 $0xFFFF3800  }
0xc7: {  	[hbm4b:s0+s2] =	stream.linear.scatter [tilespmem:s8], [sflag:$0x3], $0xC800, $0x38;
	[tilespmem:$0x1A900] =	vst v63  }
0xc8: {  	_ =	swait.ge [sflag:s9], $0xC800  }
0xc9: {  	[sflag:s9] =	ssyncset.done $0x0  }
0xca: {  	[sflag:s9] =	ssyncadd.s32 $0xFFFF3800  }
0xcb: {  	[tilespmem:s6], [sflag:$0x1] =	stream.indirect.gather [hbm4b:s4+s5], $0x80, s15, s5, $0xb8;
	[tilespmem:$0x1A900] =	vst v63  }
0xcc: {  	_ =	swait.ge [sflag:s7], $0xC800  }
0xcd: {  	[sflag:s7] =	ssyncset.done $0x0  }
0xce: {  	s0 =	rddreg [dreg:$0xa];
	[sflag:s7] =	ssyncadd.s32 $0xFFFF3800  }
0xcf: {  	[hbm4b:s0+s2] =	stream.linear.scatter [tilespmem:s6], [sflag:$0x2], $0xC800, $0x38;
	[tilespmem:$0x1A900] =	vst v63  }
0xd0: {  	_ =	swait.ge [sflag:s11], $0xC800  }
0xd1: {  	[sflag:s11] =	ssyncset.done $0x0  }
0xd2: {  	[sflag:s11] =	ssyncadd.s32 $0xFFFF3800  }
0xd3: {  	[tilespmem:s8], [sflag:$0x1] =	stream.indirect.gather [hbm4b:s4+s5], $0x80, s16, s5, $0xb8;
	[tilespmem:$0x1A900] =	vst v63  }
0xd4: {  	_ =	swait.ge [sflag:s7], $0xC800  }
0xd5: {  	[sflag:s7] =	ssyncset.done $0x0  }
0xd6: {  	s0 =	rddreg [dreg:$0xb];
	[sflag:s7] =	ssyncadd.s32 $0xFFFF3800  }
0xd7: {  	[hbm4b:s0+s2] =	stream.linear.scatter [tilespmem:s8], [sflag:$0x3], $0xC800, $0x38;
	[tilespmem:$0x1A900] =	vst v63  }
0xd8: {  	_ =	swait.ge [sflag:s9], $0xC800  }
0xd9: {  	[sflag:s9] =	ssyncset.done $0x0  }
0xda: {  	[sflag:s9] =	ssyncadd.s32 $0xFFFF3800  }
0xdb: {  	[tilespmem:s6], [sflag:$0x1] =	stream.indirect.gather [hbm4b:s4+s5], $0x80, s17, s5, $0xb8;
	[tilespmem:$0x1A900] =	vst v63  }
0xdc: {  	_ =	swait.ge [sflag:s7], $0xC800  }
0xdd: {  	[sflag:s7] =	ssyncset.done $0x0  }
0xde: {  	s0 =	rddreg [dreg:$0xc];
	[sflag:s7] =	ssyncadd.s32 $0xFFFF3800  }
0xdf: {  	[hbm4b:s0+s2] =	stream.linear.scatter [tilespmem:s6], [sflag:$0x2], $0xC800, $0x38;
	[tilespmem:$0x1A900] =	vst v63  }
0xe0: {  	_ =	swait.ge [sflag:s11], $0xC800  }
0xe1: {  	[sflag:s11] =	ssyncset.done $0x0  }
0xe2: {  	[sflag:s11] =	ssyncadd.s32 $0xFFFF3800  }
0xe3: {  	[tilespmem:s8], [sflag:$0x1] =	stream.indirect.gather [hbm4b:s4+s5], $0x80, s18, s5, $0xb8;
	[tilespmem:$0x1A900] =	vst v63  }
0xe4: {  	_ =	swait.ge [sflag:s7], $0xC800  }
0xe5: {  	[sflag:s7] =	ssyncset.done $0x0  }
0xe6: {  	s0 =	rddreg [dreg:$0xd];
	[sflag:s7] =	ssyncadd.s32 $0xFFFF3800  }
0xe7: {  	[hbm4b:s0+s2] =	stream.linear.scatter [tilespmem:s8], [sflag:$0x3], $0xC800, $0x38;
	[tilespmem:$0x1A900] =	vst v63  }
0xe8: {  	_ =	swait.ge [sflag:s9], $0xC800  }
0xe9: {  	[sflag:s9] =	ssyncset.done $0x0  }
0xea: {  	[sflag:s9] =	ssyncadd.s32 $0xFFFF3800  }
0xeb: {  	[tilespmem:s6], [sflag:$0x1] =	stream.indirect.gather [hbm4b:s4+s5], $0x80, s19, s5, $0xb8;
	[tilespmem:$0x1A900] =	vst v63  }
0xec: {  	_ =	swait.ge [sflag:s7], $0xC800  }
0xed: {  	[sflag:s7] =	ssyncset.done $0x0  }
0xee: {  	[sflag:s7] =	ssyncadd.s32 $0xFFFF3800  }
0xef: {  	[hbm4b:s20+s2] =	stream.linear.scatter [tilespmem:s6], [sflag:$0x2], $0xC800, $0x38;
	[tilespmem:$0x1A900] =	vst v63  }
0xf0: {  	_ =	swait.ge [sflag:s11], $0xC800  }
0xf1: {  	[sflag:s11] =	ssyncset.done $0x0  }
0xf2: {  	[sflag:s11] =	ssyncadd.s32 $0xFFFF3800  }
0xf3: {  	[tilespmem:s8], [sflag:$0x1] =	stream.indirect.gather [hbm4b:s4+s5], $0x80, s21, s5, $0xb8;
	[tilespmem:$0x1A900] =	vst v63  }
0xf4: {  	_ =	swait.ge [sflag:s7], $0xC800  }
0xf5: {  	[sflag:s7] =	ssyncset.done $0x0  }
0xf6: {  	[sflag:s7] =	ssyncadd.s32 $0xFFFF3800  }
0xf7: {  	[hbm4b:s22+s2] =	stream.linear.scatter [tilespmem:s8], [sflag:$0x3], $0xC800, $0x38;
	[tilespmem:$0x1A900] =	vst v63  }
0xf8: {  	_ =	swait.ge [sflag:s9], $0xC800  }
0xf9: {  	[sflag:s9] =	ssyncset.done $0x0  }
0xfa: {  	[sflag:s9] =	ssyncadd.s32 $0xFFFF3800  }
0xfb: {  	[tilespmem:s6], [sflag:$0x1] =	stream.indirect.gather [hbm4b:s4+s5], $0x80, s23, s5, $0xb8;
	[tilespmem:$0x1A900] =	vst v63  }
0xfc: {  	_ =	swait.ge [sflag:s7], $0xC800  }
0xfd: {  	[sflag:s7] =	ssyncset.done $0x0  }
0xfe: {  	[sflag:s7] =	ssyncadd.s32 $0xFFFF3800  }
0xff: {  	[hbm4b:s24+s2] =	stream.linear.scatter [tilespmem:s6], [sflag:$0x2], $0xC800, $0x38;
	[tilespmem:$0x1A900] =	vst v63  }
0x100: {  	_ =	swait.ge [sflag:s11], $0xC800  }
0x101: {  	[sflag:s11] =	ssyncset.done $0x0  }
0x102: {  	[sflag:s11] =	ssyncadd.s32 $0xFFFF3800  }
0x103: {  	[tilespmem:s8], [sflag:$0x1] =	stream.indirect.gather [hbm4b:s4+s5], $0x80, s25, s5, $0xb8;
	[tilespmem:$0x1A900] =	vst v63  }
0x104: {  	_ =	swait.ge [sflag:s7], $0xC800  }
0x105: {  	[sflag:s7] =	ssyncset.done $0x0  }
0x106: {  	[sflag:s7] =	ssyncadd.s32 $0xFFFF3800  }
0x107: {  	[hbm4b:s26+s2] =	stream.linear.scatter [tilespmem:s8], [sflag:$0x3], $0xC800, $0x38;
	[tilespmem:$0x1A900] =	vst v63  }
0x108: {  	_ =	swait.ge [sflag:s9], $0xC800  }
0x109: {  	[sflag:s9] =	ssyncset.done $0x0  }
0x10a: {  	[sflag:s9] =	ssyncadd.s32 $0xFFFF3800  }
0x10b: {  	[tilespmem:s6], [sflag:$0x1] =	stream.indirect.gather [hbm4b:s4+s5], $0x80, s28, s5, $0xb8;
	[tilespmem:$0x1A900] =	vst v63  }
0x10c: {  	_ =	swait.ge [sflag:s7], $0xC800  }
0x10d: {  	[sflag:s7] =	ssyncset.done $0x0  }
0x10e: {  	[sflag:s7] =	ssyncadd.s32 $0xFFFF3800  }
0x10f: {  	[hbm4b:s29+s2] =	stream.linear.scatter [tilespmem:s6], [sflag:$0x2], $0xC800, $0x38;
	[tilespmem:$0x1A900] =	vst v63  }
0x110: {  	_ =	swait.ge [sflag:s11], $0xC800  }
0x111: {  	[sflag:s11] =	ssyncset.done $0x0  }
0x112: {  	[sflag:s11] =	ssyncadd.s32 $0xFFFF3800  }
0x113: {  	[tilespmem:s8], [sflag:$0x1] =	stream.indirect.gather [hbm4b:s4+s5], $0x80, s30, s5, $0xb8;
	[tilespmem:$0x1A900] =	vst v63  }
0x114: {  	_ =	swait.ge [sflag:s7], $0xC800  }
0x115: {  	[sflag:s7] =	ssyncset.done $0x0  }
0x116: {  	p0 =	sne.s32 s1, $0x1;
	[sflag:s7] =	ssyncadd.s32 $0xFFFF3800  }
0x117: {  	[hbm4b:s31+s2] =	stream.linear.scatter [tilespmem:s8], [sflag:$0x3], $0xC800, $0x38;
	[tilespmem:$0x1A900] =	vst v63  }
.Ltmp1:
0x118: {  	_ =	swait.ge [sflag:s9], $0xC800;
	(pc) =	sbr.rel @p0 .LBB2_1-.Ltmp1, $4  }
0x119: {  	[sflag:s9] =	ssyncset.done $0x0  }
0x11a: {  	[sflag:s9] =	ssyncadd.s32 $0xFFFF3800  }
0x11b: {  	_ =	swait.ge [sflag:s11], $0xC800  }
0x11c: {  	s1 =	sadd.s32 $0xFFFFFFFF, s1;
	[sflag:s11] =	ssyncset.done $0x0  }
.LBB2_2:
0x11d: {  	[sflag:s11] =	ssyncadd.s32 $0xFFFF3800  }
0x11e: {  	_ =	sfence.sel $0x180000  }
0x11f: {  	[bflag:$0x0] =	sbarrier.arrive $0xFFFF  }
0x120: {  	_ =	strace $0x90000047  }
0x121: {  	s0 =	stileid.u32;
	[bflag:$0x2] =	sbarrier.arrive $0xFFFF  }
0x122: {  	p0 =	sne.s32 s0, $0x0;
	s0 =	rddreg [dreg:$0x2]  }
0x123: {  	s0 =	sadd.s32 @!p0 $0x100000, s0  }
0x124: {  	[sflag:s0] =	ssyncadd.tile.s32 @!p0 $0x1;
	_ =	shalt  }
.Lfunc_end2:
_tile_overlayer_lowered:
.L_overlay_start_2:
0x125: {  	(tag) =	ssettag $0x2  }
0x126: {  	s0 =	rddreg [dreg:$0x0];
	s2 =	stileid.u32  }
0x127: {  	s1 =	rddreg [dreg:$0x1];
	p0 =	sne.s32 s2, $0x0  }
0x128: {  	s3 =	rddreg [dreg:$0x2];
	[bflag:$0x3] =	sbarrier.arrive $0xFFFF;
	s2 =	simm.s32 @!p0 $0x1C04  }
0x129: {  	[timem:s3], [sflag:s2] =	dma.local @!p0 [hbm:s0], s1  }
0x12a: {  	s0 =	simm.s32 @!p0 $0x4  }
0x12b: {  	_ =	swait.ge @!p0 [sflag:s0], s1  }
0x12c: {  	s1 =	ssub.s32 @!p0 $0x0, s1;
	[sflag:s0] =	ssyncset.done @!p0 $0x0  }
0x12d: {  	[sflag:s0] =	ssyncadd.s32 @!p0 s1  }
0x12e: {  	[bflag:$0x3] =	sbarrier.arrive $0xFFFF  }
0x12f: {  	_ =	shalt  }

</sc_bundles>
